<compile_context>
chip_gen: v7x
topology: tpu7x:2x2x1
jax: 0.10.2.dev20260603
libtpu: 0.0.44.dev20260713+nightly
codegen_flags: <defaults>
</compile_context>

<pallas_src>
import functools

import jax
import jax.numpy as jnp
from jax import lax
from jax.experimental import pallas as pl
from jax.experimental.pallas import tpu as pltpu
from jax.experimental.pallas import tpu_sc as plsc

_D = 64
_IW = 128
_SUB = 4
_CHUNK = _IW * _SUB


def _make_gather(total_rows: int):
    info = plsc.get_sparse_core_info()
    nw = info.num_cores * info.num_subcores
    rows_per_w = total_rows // nw
    nchunk = rows_per_w // _CHUNK
    npair = nchunk // 2
    idx_rows = rows_per_w // _IW
    mesh = plsc.VectorSubcoreMesh(core_axis_name="c", subcore_axis_name="s")

    @functools.partial(
        pl.kernel,
        mesh=mesh,
        out_type=jax.ShapeDtypeStruct((total_rows, _D), jnp.float32),
        scratch_types=[
            pltpu.VMEM((idx_rows, _IW), jnp.int32),
            pltpu.VMEM((_CHUNK, _D), jnp.float32),
            pltpu.VMEM((_CHUNK, _D), jnp.float32),
            pltpu.SemaphoreType.DMA,
            pltpu.SemaphoreType.DMA,
        ],
        compiler_params=pltpu.CompilerParams(use_tc_tiling_on_sc=False),
    )
    def gather(table_hbm, idx_hbm, out_hbm, idx_v, rows0, rows1, sg0, sg1):
        wid = lax.axis_index("s") * info.num_cores + lax.axis_index("c")
        base = wid * rows_per_w

        pltpu.sync_copy(
            idx_hbm.at[pl.ds(pl.multiple_of(wid * idx_rows, 8), idx_rows)], idx_v
        )

        def fire(c, rows_v, sem):
            for j in range(_SUB):
                pltpu.async_copy(
                    table_hbm.at[idx_v.at[c * _SUB + j]],
                    rows_v.at[pl.ds(j * _IW, _IW)],
                    sem,
                )

        def drain(c, rows_v, sem):
            for j in range(_SUB):
                pltpu.make_async_copy(
                    table_hbm.at[idx_v.at[c * _SUB + j]],
                    rows_v.at[pl.ds(j * _IW, _IW)],
                    sem,
                ).wait()

        def wback(c, rows_v):
            off = pl.multiple_of(base + c * _CHUNK, _CHUNK)
            pltpu.sync_copy(rows_v, out_hbm.at[pl.ds(off, _CHUNK)])

        fire(0, rows0, sg0)

        def pair_body(p, carry):
            c0 = p * 2
            fire(c0 + 1, rows1, sg1)
            drain(c0, rows0, sg0)
            wback(c0, rows0)

            @pl.when(p + 1 < npair)
            def _():
                fire(c0 + 2, rows0, sg0)

            drain(c0 + 1, rows1, sg1)
            wback(c0 + 1, rows1)
            return carry

        lax.fori_loop(0, npair, pair_body, 0)

    return gather


def kernel(memory, t_layer, idx, contrast_idx):
    t, cap, d = memory.shape
    b = idx.shape[0]
    kp1 = contrast_idx.shape[1] + 1
    total = b * kp1
    table = jax.lax.dynamic_slice_in_dim(memory, t_layer, 1, axis=0).reshape(cap, d)
    full_idx = jnp.concatenate(
        [idx.astype(jnp.int32)[:, None], contrast_idx.astype(jnp.int32)], axis=1
    )
    idx2d = full_idx.reshape(total // _IW, _IW)
    out = _make_gather(total)(table, idx2d)
    return out.reshape(b, kp1, d)

# --- scband reference (transcript-rebuilt; emitter-appended) ---
"""Pipeline reference for scband-half-proj-contrast-memory-15685220565756 (READ-ONLY COPY).

The authoritative reference and input builder live on the scoring server;
editing this copy changes nothing except your own understanding.
"""

import jax, jax.numpy as jnp
import numpy as np

CAPACITY = 1000000
FEATURE_DIM = 64
T_LAYERS = 4
K = 127
B = 4096


def setup_inputs(seed: int = 0) -> dict:
    key = jax.random.key(seed)
    k_mem, k_idx, k_cidx = jax.random.split(key, 3)
    memory = jax.random.uniform(k_mem, (T_LAYERS, CAPACITY, FEATURE_DIM), dtype=jnp.float32)
    idx = jax.random.randint(k_idx, (B,), 0, CAPACITY, dtype=jnp.int64 if jax.config.jax_enable_x64 else jnp.int32)
    contrast_idx = jax.random.randint(k_cidx, (B, K), 0, CAPACITY, dtype=jnp.int64 if jax.config.jax_enable_x64 else jnp.int32)
    t_layer = 2
    return {"memory": memory, "t_layer": t_layer, "idx": idx, "contrast_idx": contrast_idx}


def reference(memory, t_layer, idx, contrast_idx):
    # idx: (B,), contrast_idx: (B, K) -> full_idx: (B, K+1)
    full_idx = jnp.concatenate([idx[:, None], contrast_idx], axis=1)
    # gather rows from the selected teacher-layer memory slab
    weight = jnp.take(memory[t_layer], full_idx, axis=0)  # (B, K+1, feature_dim)
    return weight

if __name__ == "__main__":
    import jax
    _d = setup_inputs()
    print(jax.jit(kernel)(*tuple(_d.values())))

</pallas_src>

<mosaic_0001>
#map = affine_map<(d0, d1) -> (0, 0)>
module attributes {stable_mosaic.version = 14 : i64} {
  func.func @gather(%arg0: i32, %arg1: i32, %arg2: memref<1000000x64xf32, #tpu.memory_space<hbm>>, %arg3: memref<4096x128xi32, #tpu.memory_space<hbm>>, %arg4: memref<524288x64xf32, #tpu.memory_space<hbm>>, %arg5: memref<128x128xi32, #tpu.memory_space<vmem>>, %arg6: memref<512x64xf32, #tpu.memory_space<vmem>>, %arg7: memref<512x64xf32, #tpu.memory_space<vmem>>, %arg8: memref<!tpu.dma_semaphore, #tpu.memory_space<semaphore_mem>>, %arg9: memref<!tpu.dma_semaphore, #tpu.memory_space<semaphore_mem>>) attributes {dimension_semantics = [#tpu.dimension_semantics<core_parallel>, #tpu.dimension_semantics<subcore_parallel>], iteration_bounds = array<i64: 2, 16>, scalar_prefetch = 0 : i64, scratch_operands = 5 : i64, tpu.core_type = #tpu.core_type<sc_vector_subcore>, window_params = [{transform_indices = #map}, {transform_indices = #map}, {transform_indices = #map}]} {
    %mul3A = arith.constant 2 : i32
    %mul3A_0 = arith.muli %arg1, %mul3A : i32
    %add3A = arith.addi %mul3A_0, %arg0 : i32
    %mul3A_1 = arith.constant 16384 : i32
    %mul3A_2 = arith.muli %add3A, %mul3A_1 : i32
    %mul3A_3 = arith.constant 128 : i32
    %mul3A_4 = arith.muli %add3A, %mul3A_3 : i32
    %multiple_of3A = tpu.assume_multiple %mul3A_4, 8 : i32
    "tpu.region"() ({
      %run_scoped3A = tpu.sem_alloc : memref<!tpu.dma_semaphore, #tpu.memory_space<semaphore_mem>>
      %dma_start3A_49 = arith.constant 0 : i32
      %dma_start3A_50 = tpu.memref_slice %arg3[%multiple_of3A, %dma_start3A_49] : memref<4096x128xi32, #tpu.memory_space<hbm>> -> memref<128x128xi32, #tpu.memory_space<hbm>>
      %dma_start3A_51 = arith.constant 0 : i32
      %dma_start3A_52 = tpu.memref_slice %arg3[%multiple_of3A, %dma_start3A_51] : memref<4096x128xi32, #tpu.memory_space<hbm>> -> memref<128x128xi32, #tpu.memory_space<hbm>>
      tpu.enqueue_dma source(%dma_start3A_52 : memref<128x128xi32, #tpu.memory_space<hbm>>) target(%arg5 : memref<128x128xi32, #tpu.memory_space<vmem>>) target_semaphore(%run_scoped3A : memref<!tpu.dma_semaphore, #tpu.memory_space<semaphore_mem>>)
      %dma_wait3A = arith.constant 0 : i32
      %dma_wait3A_53 = tpu.memref_slice %arg3[%multiple_of3A, %dma_wait3A] : memref<4096x128xi32, #tpu.memory_space<hbm>> -> memref<128x128xi32, #tpu.memory_space<hbm>>
      %dma_wait3A_54 = arith.constant 0 : i32
      %dma_wait3A_55 = tpu.memref_slice %arg3[%multiple_of3A, %dma_wait3A_54] : memref<4096x128xi32, #tpu.memory_space<hbm>> -> memref<128x128xi32, #tpu.memory_space<hbm>>
      tpu.wait_dma2 semaphore(%run_scoped3A : memref<!tpu.dma_semaphore, #tpu.memory_space<semaphore_mem>>) src(%dma_wait3A_55 : memref<128x128xi32, #tpu.memory_space<hbm>>) dst(%arg5 : memref<128x128xi32, #tpu.memory_space<vmem>>)
      tpu.yield
    }) : () -> ()
    %dma_start3A = arith.constant 0 : i32
    %dma_start3A_5 = arith.constant 0 : i32
    %dma_start3A_6 = arith.constant 0 : i32
    %dma_start3A_7 = tpu.memref_slice %arg6[%dma_start3A_5, %dma_start3A_6] : memref<512x64xf32, #tpu.memory_space<vmem>> -> memref<128x64xf32, #tpu.memory_space<vmem>>
    %dma_start3A_8 = arith.constant 0 : i32
    %dma_start3A_9 = tpu.memref_slice %arg5[%dma_start3A, %dma_start3A_8] : memref<128x128xi32, #tpu.memory_space<vmem>> -> memref<1x128xi32, #tpu.memory_space<vmem>>
    %dma_start3A_10 = tpu.memref_squeeze %dma_start3A_9 : memref<1x128xi32, #tpu.memory_space<vmem>> -> memref<128xi32, #tpu.memory_space<vmem>>
    %dma_start3A_11 = arith.constant 0 : i32
    %dma_start3A_12 = arith.constant 0 : i32
    %dma_start3A_13 = tpu.memref_slice %arg2[%dma_start3A_11, %dma_start3A_12] : memref<1000000x64xf32, #tpu.memory_space<hbm>> -> memref<1000000x64xf32, #tpu.memory_space<hbm>>
    tpu.enqueue_indirect_dma source(%dma_start3A_13 : memref<1000000x64xf32, #tpu.memory_space<hbm>>) target(%dma_start3A_7 : memref<128x64xf32, #tpu.memory_space<vmem>>) offsets(%dma_start3A_10 : memref<128xi32, #tpu.memory_space<vmem>>) semaphore(%arg8 : memref<!tpu.dma_semaphore, #tpu.memory_space<semaphore_mem>>)
    %dma_start3A_14 = arith.constant 1 : i32
    %dma_start3A_15 = arith.constant 128 : i32
    %dma_start3A_16 = arith.constant 0 : i32
    %dma_start3A_17 = tpu.memref_slice %arg6[%dma_start3A_15, %dma_start3A_16] : memref<512x64xf32, #tpu.memory_space<vmem>> -> memref<128x64xf32, #tpu.memory_space<vmem>>
    %dma_start3A_18 = arith.constant 0 : i32
    %dma_start3A_19 = tpu.memref_slice %arg5[%dma_start3A_14, %dma_start3A_18] : memref<128x128xi32, #tpu.memory_space<vmem>> -> memref<1x128xi32, #tpu.memory_space<vmem>>
    %dma_start3A_20 = tpu.memref_squeeze %dma_start3A_19 : memref<1x128xi32, #tpu.memory_space<vmem>> -> memref<128xi32, #tpu.memory_space<vmem>>
    %dma_start3A_21 = arith.constant 0 : i32
    %dma_start3A_22 = arith.constant 0 : i32
    %dma_start3A_23 = tpu.memref_slice %arg2[%dma_start3A_21, %dma_start3A_22] : memref<1000000x64xf32, #tpu.memory_space<hbm>> -> memref<1000000x64xf32, #tpu.memory_space<hbm>>
    tpu.enqueue_indirect_dma source(%dma_start3A_23 : memref<1000000x64xf32, #tpu.memory_space<hbm>>) target(%dma_start3A_17 : memref<128x64xf32, #tpu.memory_space<vmem>>) offsets(%dma_start3A_20 : memref<128xi32, #tpu.memory_space<vmem>>) semaphore(%arg8 : memref<!tpu.dma_semaphore, #tpu.memory_space<semaphore_mem>>)
    %dma_start3A_24 = arith.constant 2 : i32
    %dma_start3A_25 = arith.constant 256 : i32
    %dma_start3A_26 = arith.constant 0 : i32
    %dma_start3A_27 = tpu.memref_slice %arg6[%dma_start3A_25, %dma_start3A_26] : memref<512x64xf32, #tpu.memory_space<vmem>> -> memref<128x64xf32, #tpu.memory_space<vmem>>
    %dma_start3A_28 = arith.constant 0 : i32
    %dma_start3A_29 = tpu.memref_slice %arg5[%dma_start3A_24, %dma_start3A_28] : memref<128x128xi32, #tpu.memory_space<vmem>> -> memref<1x128xi32, #tpu.memory_space<vmem>>
    %dma_start3A_30 = tpu.memref_squeeze %dma_start3A_29 : memref<1x128xi32, #tpu.memory_space<vmem>> -> memref<128xi32, #tpu.memory_space<vmem>>
    %dma_start3A_31 = arith.constant 0 : i32
    %dma_start3A_32 = arith.constant 0 : i32
    %dma_start3A_33 = tpu.memref_slice %arg2[%dma_start3A_31, %dma_start3A_32] : memref<1000000x64xf32, #tpu.memory_space<hbm>> -> memref<1000000x64xf32, #tpu.memory_space<hbm>>
    tpu.enqueue_indirect_dma source(%dma_start3A_33 : memref<1000000x64xf32, #tpu.memory_space<hbm>>) target(%dma_start3A_27 : memref<128x64xf32, #tpu.memory_space<vmem>>) offsets(%dma_start3A_30 : memref<128xi32, #tpu.memory_space<vmem>>) semaphore(%arg8 : memref<!tpu.dma_semaphore, #tpu.memory_space<semaphore_mem>>)
    %dma_start3A_34 = arith.constant 3 : i32
    %dma_start3A_35 = arith.constant 384 : i32
    %dma_start3A_36 = arith.constant 0 : i32
    %dma_start3A_37 = tpu.memref_slice %arg6[%dma_start3A_35, %dma_start3A_36] : memref<512x64xf32, #tpu.memory_space<vmem>> -> memref<128x64xf32, #tpu.memory_space<vmem>>
    %dma_start3A_38 = arith.constant 0 : i32
    %dma_start3A_39 = tpu.memref_slice %arg5[%dma_start3A_34, %dma_start3A_38] : memref<128x128xi32, #tpu.memory_space<vmem>> -> memref<1x128xi32, #tpu.memory_space<vmem>>
    %dma_start3A_40 = tpu.memref_squeeze %dma_start3A_39 : memref<1x128xi32, #tpu.memory_space<vmem>> -> memref<128xi32, #tpu.memory_space<vmem>>
    %dma_start3A_41 = arith.constant 0 : i32
    %dma_start3A_42 = arith.constant 0 : i32
    %dma_start3A_43 = tpu.memref_slice %arg2[%dma_start3A_41, %dma_start3A_42] : memref<1000000x64xf32, #tpu.memory_space<hbm>> -> memref<1000000x64xf32, #tpu.memory_space<hbm>>
    tpu.enqueue_indirect_dma source(%dma_start3A_43 : memref<1000000x64xf32, #tpu.memory_space<hbm>>) target(%dma_start3A_37 : memref<128x64xf32, #tpu.memory_space<vmem>>) offsets(%dma_start3A_40 : memref<128xi32, #tpu.memory_space<vmem>>) semaphore(%arg8 : memref<!tpu.dma_semaphore, #tpu.memory_space<semaphore_mem>>)
    %scan3A = arith.constant 0 : i32
    %scan3A_44 = arith.constant 0 : i32
    %scan3A_45 = arith.constant 16 : i32
    %scan3A_46 = arith.addi %scan3A_44, %scan3A_45 : i32
    %scan3A_47 = arith.constant 1 : i32
    scf.for %scan3A_49 = %scan3A_44 to %scan3A_46 step %scan3A_47  : i32 {
      %mul3A_50 = arith.constant 2 : i32
      %mul3A_51 = arith.muli %scan3A_49, %mul3A_50 : i32
      %add3A_52 = arith.constant 1 : i32
      %add3A_53 = arith.addi %mul3A_51, %add3A_52 : i32
      %mul3A_54 = arith.constant 4 : i32
      %mul3A_55 = arith.muli %add3A_53, %mul3A_54 : i32
      %add3A_56 = arith.constant 0 : i32
      %add3A_57 = arith.addi %mul3A_55, %add3A_56 : i32
      %dma_start3A_58 = arith.constant 0 : i32
      %dma_start3A_59 = arith.constant 0 : i32
      %dma_start3A_60 = tpu.memref_slice %arg7[%dma_start3A_58, %dma_start3A_59] : memref<512x64xf32, #tpu.memory_space<vmem>> -> memref<128x64xf32, #tpu.memory_space<vmem>>
      %dma_start3A_61 = arith.constant 0 : i32
      %dma_start3A_62 = tpu.memref_slice %arg5[%add3A_57, %dma_start3A_61] : memref<128x128xi32, #tpu.memory_space<vmem>> -> memref<1x128xi32, #tpu.memory_space<vmem>>
      %dma_start3A_63 = tpu.memref_squeeze %dma_start3A_62 : memref<1x128xi32, #tpu.memory_space<vmem>> -> memref<128xi32, #tpu.memory_space<vmem>>
      %dma_start3A_64 = arith.constant 0 : i32
      %dma_start3A_65 = arith.constant 0 : i32
      %dma_start3A_66 = tpu.memref_slice %arg2[%dma_start3A_64, %dma_start3A_65] : memref<1000000x64xf32, #tpu.memory_space<hbm>> -> memref<1000000x64xf32, #tpu.memory_space<hbm>>
      tpu.enqueue_indirect_dma source(%dma_start3A_66 : memref<1000000x64xf32, #tpu.memory_space<hbm>>) target(%dma_start3A_60 : memref<128x64xf32, #tpu.memory_space<vmem>>) offsets(%dma_start3A_63 : memref<128xi32, #tpu.memory_space<vmem>>) semaphore(%arg9 : memref<!tpu.dma_semaphore, #tpu.memory_space<semaphore_mem>>)
      %mul3A_67 = arith.constant 4 : i32
      %mul3A_68 = arith.muli %add3A_53, %mul3A_67 : i32
      %add3A_69 = arith.constant 1 : i32
      %add3A_70 = arith.addi %mul3A_68, %add3A_69 : i32
      %dma_start3A_71 = arith.constant 128 : i32
      %dma_start3A_72 = arith.constant 0 : i32
      %dma_start3A_73 = tpu.memref_slice %arg7[%dma_start3A_71, %dma_start3A_72] : memref<512x64xf32, #tpu.memory_space<vmem>> -> memref<128x64xf32, #tpu.memory_space<vmem>>
      %dma_start3A_74 = arith.constant 0 : i32
      %dma_start3A_75 = tpu.memref_slice %arg5[%add3A_70, %dma_start3A_74] : memref<128x128xi32, #tpu.memory_space<vmem>> -> memref<1x128xi32, #tpu.memory_space<vmem>>
      %dma_start3A_76 = tpu.memref_squeeze %dma_start3A_75 : memref<1x128xi32, #tpu.memory_space<vmem>> -> memref<128xi32, #tpu.memory_space<vmem>>
      %dma_start3A_77 = arith.constant 0 : i32
      %dma_start3A_78 = arith.constant 0 : i32
      %dma_start3A_79 = tpu.memref_slice %arg2[%dma_start3A_77, %dma_start3A_78] : memref<1000000x64xf32, #tpu.memory_space<hbm>> -> memref<1000000x64xf32, #tpu.memory_space<hbm>>
      tpu.enqueue_indirect_dma source(%dma_start3A_79 : memref<1000000x64xf32, #tpu.memory_space<hbm>>) target(%dma_start3A_73 : memref<128x64xf32, #tpu.memory_space<vmem>>) offsets(%dma_start3A_76 : memref<128xi32, #tpu.memory_space<vmem>>) semaphore(%arg9 : memref<!tpu.dma_semaphore, #tpu.memory_space<semaphore_mem>>)
      %mul3A_80 = arith.constant 4 : i32
      %mul3A_81 = arith.muli %add3A_53, %mul3A_80 : i32
      %add3A_82 = arith.constant 2 : i32
      %add3A_83 = arith.addi %mul3A_81, %add3A_82 : i32
      %dma_start3A_84 = arith.constant 256 : i32
      %dma_start3A_85 = arith.constant 0 : i32
      %dma_start3A_86 = tpu.memref_slice %arg7[%dma_start3A_84, %dma_start3A_85] : memref<512x64xf32, #tpu.memory_space<vmem>> -> memref<128x64xf32, #tpu.memory_space<vmem>>
      %dma_start3A_87 = arith.constant 0 : i32
      %dma_start3A_88 = tpu.memref_slice %arg5[%add3A_83, %dma_start3A_87] : memref<128x128xi32, #tpu.memory_space<vmem>> -> memref<1x128xi32, #tpu.memory_space<vmem>>
      %dma_start3A_89 = tpu.memref_squeeze %dma_start3A_88 : memref<1x128xi32, #tpu.memory_space<vmem>> -> memref<128xi32, #tpu.memory_space<vmem>>
      %dma_start3A_90 = arith.constant 0 : i32
      %dma_start3A_91 = arith.constant 0 : i32
      %dma_start3A_92 = tpu.memref_slice %arg2[%dma_start3A_90, %dma_start3A_91] : memref<1000000x64xf32, #tpu.memory_space<hbm>> -> memref<1000000x64xf32, #tpu.memory_space<hbm>>
      tpu.enqueue_indirect_dma source(%dma_start3A_92 : memref<1000000x64xf32, #tpu.memory_space<hbm>>) target(%dma_start3A_86 : memref<128x64xf32, #tpu.memory_space<vmem>>) offsets(%dma_start3A_89 : memref<128xi32, #tpu.memory_space<vmem>>) semaphore(%arg9 : memref<!tpu.dma_semaphore, #tpu.memory_space<semaphore_mem>>)
      %mul3A_93 = arith.constant 4 : i32
      %mul3A_94 = arith.muli %add3A_53, %mul3A_93 : i32
      %add3A_95 = arith.constant 3 : i32
      %add3A_96 = arith.addi %mul3A_94, %add3A_95 : i32
      %dma_start3A_97 = arith.constant 384 : i32
      %dma_start3A_98 = arith.constant 0 : i32
      %dma_start3A_99 = tpu.memref_slice %arg7[%dma_start3A_97, %dma_start3A_98] : memref<512x64xf32, #tpu.memory_space<vmem>> -> memref<128x64xf32, #tpu.memory_space<vmem>>
      %dma_start3A_100 = arith.constant 0 : i32
      %dma_start3A_101 = tpu.memref_slice %arg5[%add3A_96, %dma_start3A_100] : memref<128x128xi32, #tpu.memory_space<vmem>> -> memref<1x128xi32, #tpu.memory_space<vmem>>
      %dma_start3A_102 = tpu.memref_squeeze %dma_start3A_101 : memref<1x128xi32, #tpu.memory_space<vmem>> -> memref<128xi32, #tpu.memory_space<vmem>>
      %dma_start3A_103 = arith.constant 0 : i32
      %dma_start3A_104 = arith.constant 0 : i32
      %dma_start3A_105 = tpu.memref_slice %arg2[%dma_start3A_103, %dma_start3A_104] : memref<1000000x64xf32, #tpu.memory_space<hbm>> -> memref<1000000x64xf32, #tpu.memory_space<hbm>>
      tpu.enqueue_indirect_dma source(%dma_start3A_105 : memref<1000000x64xf32, #tpu.memory_space<hbm>>) target(%dma_start3A_99 : memref<128x64xf32, #tpu.memory_space<vmem>>) offsets(%dma_start3A_102 : memref<128xi32, #tpu.memory_space<vmem>>) semaphore(%arg9 : memref<!tpu.dma_semaphore, #tpu.memory_space<semaphore_mem>>)
      %mul3A_106 = arith.constant 4 : i32
      %mul3A_107 = arith.muli %mul3A_51, %mul3A_106 : i32
      %add3A_108 = arith.constant 0 : i32
      %add3A_109 = arith.addi %mul3A_107, %add3A_108 : i32
      %dma_wait3A = arith.constant 0 : i32
      %dma_wait3A_110 = arith.constant 0 : i32
      %dma_wait3A_111 = tpu.memref_slice %arg6[%dma_wait3A, %dma_wait3A_110] : memref<512x64xf32, #tpu.memory_space<vmem>> -> memref<128x64xf32, #tpu.memory_space<vmem>>
      %dma_wait3A_112 = arith.constant 0 : i32
      %dma_wait3A_113 = tpu.memref_slice %arg5[%add3A_109, %dma_wait3A_112] : memref<128x128xi32, #tpu.memory_space<vmem>> -> memref<1x128xi32, #tpu.memory_space<vmem>>
      %dma_wait3A_114 = tpu.memref_squeeze %dma_wait3A_113 : memref<1x128xi32, #tpu.memory_space<vmem>> -> memref<128xi32, #tpu.memory_space<vmem>>
      %dma_wait3A_115 = arith.constant 0 : i32
      %dma_wait3A_116 = arith.constant 0 : i32
      %dma_wait3A_117 = tpu.memref_slice %arg2[%dma_wait3A_115, %dma_wait3A_116] : memref<1000000x64xf32, #tpu.memory_space<hbm>> -> memref<1000000x64xf32, #tpu.memory_space<hbm>>
      tpu.wait_indirect_dma semaphore(%arg8 : memref<!tpu.dma_semaphore, #tpu.memory_space<semaphore_mem>>) src(%dma_wait3A_117 : memref<1000000x64xf32, #tpu.memory_space<hbm>>) dst(%dma_wait3A_111 : memref<128x64xf32, #tpu.memory_space<vmem>>)
      %mul3A_118 = arith.constant 4 : i32
      %mul3A_119 = arith.muli %mul3A_51, %mul3A_118 : i32
      %add3A_120 = arith.constant 1 : i32
      %add3A_121 = arith.addi %mul3A_119, %add3A_120 : i32
      %dma_wait3A_122 = arith.constant 128 : i32
      %dma_wait3A_123 = arith.constant 0 : i32
      %dma_wait3A_124 = tpu.memref_slice %arg6[%dma_wait3A_122, %dma_wait3A_123] : memref<512x64xf32, #tpu.memory_space<vmem>> -> memref<128x64xf32, #tpu.memory_space<vmem>>
      %dma_wait3A_125 = arith.constant 0 : i32
      %dma_wait3A_126 = tpu.memref_slice %arg5[%add3A_121, %dma_wait3A_125] : memref<128x128xi32, #tpu.memory_space<vmem>> -> memref<1x128xi32, #tpu.memory_space<vmem>>
      %dma_wait3A_127 = tpu.memref_squeeze %dma_wait3A_126 : memref<1x128xi32, #tpu.memory_space<vmem>> -> memref<128xi32, #tpu.memory_space<vmem>>
      %dma_wait3A_128 = arith.constant 0 : i32
      %dma_wait3A_129 = arith.constant 0 : i32
      %dma_wait3A_130 = tpu.memref_slice %arg2[%dma_wait3A_128, %dma_wait3A_129] : memref<1000000x64xf32, #tpu.memory_space<hbm>> -> memref<1000000x64xf32, #tpu.memory_space<hbm>>
      tpu.wait_indirect_dma semaphore(%arg8 : memref<!tpu.dma_semaphore, #tpu.memory_space<semaphore_mem>>) src(%dma_wait3A_130 : memref<1000000x64xf32, #tpu.memory_space<hbm>>) dst(%dma_wait3A_124 : memref<128x64xf32, #tpu.memory_space<vmem>>)
      %mul3A_131 = arith.constant 4 : i32
      %mul3A_132 = arith.muli %mul3A_51, %mul3A_131 : i32
      %add3A_133 = arith.constant 2 : i32
      %add3A_134 = arith.addi %mul3A_132, %add3A_133 : i32
      %dma_wait3A_135 = arith.constant 256 : i32
      %dma_wait3A_136 = arith.constant 0 : i32
      %dma_wait3A_137 = tpu.memref_slice %arg6[%dma_wait3A_135, %dma_wait3A_136] : memref<512x64xf32, #tpu.memory_space<vmem>> -> memref<128x64xf32, #tpu.memory_space<vmem>>
      %dma_wait3A_138 = arith.constant 0 : i32
      %dma_wait3A_139 = tpu.memref_slice %arg5[%add3A_134, %dma_wait3A_138] : memref<128x128xi32, #tpu.memory_space<vmem>> -> memref<1x128xi32, #tpu.memory_space<vmem>>
      %dma_wait3A_140 = tpu.memref_squeeze %dma_wait3A_139 : memref<1x128xi32, #tpu.memory_space<vmem>> -> memref<128xi32, #tpu.memory_space<vmem>>
      %dma_wait3A_141 = arith.constant 0 : i32
      %dma_wait3A_142 = arith.constant 0 : i32
      %dma_wait3A_143 = tpu.memref_slice %arg2[%dma_wait3A_141, %dma_wait3A_142] : memref<1000000x64xf32, #tpu.memory_space<hbm>> -> memref<1000000x64xf32, #tpu.memory_space<hbm>>
      tpu.wait_indirect_dma semaphore(%arg8 : memref<!tpu.dma_semaphore, #tpu.memory_space<semaphore_mem>>) src(%dma_wait3A_143 : memref<1000000x64xf32, #tpu.memory_space<hbm>>) dst(%dma_wait3A_137 : memref<128x64xf32, #tpu.memory_space<vmem>>)
      %mul3A_144 = arith.constant 4 : i32
      %mul3A_145 = arith.muli %mul3A_51, %mul3A_144 : i32
      %add3A_146 = arith.constant 3 : i32
      %add3A_147 = arith.addi %mul3A_145, %add3A_146 : i32
      %dma_wait3A_148 = arith.constant 384 : i32
      %dma_wait3A_149 = arith.constant 0 : i32
      %dma_wait3A_150 = tpu.memref_slice %arg6[%dma_wait3A_148, %dma_wait3A_149] : memref<512x64xf32, #tpu.memory_space<vmem>> -> memref<128x64xf32, #tpu.memory_space<vmem>>
      %dma_wait3A_151 = arith.constant 0 : i32
      %dma_wait3A_152 = tpu.memref_slice %arg5[%add3A_147, %dma_wait3A_151] : memref<128x128xi32, #tpu.memory_space<vmem>> -> memref<1x128xi32, #tpu.memory_space<vmem>>
      %dma_wait3A_153 = tpu.memref_squeeze %dma_wait3A_152 : memref<1x128xi32, #tpu.memory_space<vmem>> -> memref<128xi32, #tpu.memory_space<vmem>>
      %dma_wait3A_154 = arith.constant 0 : i32
      %dma_wait3A_155 = arith.constant 0 : i32
      %dma_wait3A_156 = tpu.memref_slice %arg2[%dma_wait3A_154, %dma_wait3A_155] : memref<1000000x64xf32, #tpu.memory_space<hbm>> -> memref<1000000x64xf32, #tpu.memory_space<hbm>>
      tpu.wait_indirect_dma semaphore(%arg8 : memref<!tpu.dma_semaphore, #tpu.memory_space<semaphore_mem>>) src(%dma_wait3A_156 : memref<1000000x64xf32, #tpu.memory_space<hbm>>) dst(%dma_wait3A_150 : memref<128x64xf32, #tpu.memory_space<vmem>>)
      %mul3A_157 = arith.constant 512 : i32
      %mul3A_158 = arith.muli %mul3A_51, %mul3A_157 : i32
      %add3A_159 = arith.addi %mul3A_2, %mul3A_158 : i32
      %multiple_of3A_160 = tpu.assume_multiple %add3A_159, 512 : i32
      "tpu.region"() ({
        %run_scoped3A = tpu.sem_alloc : memref<!tpu.dma_semaphore, #tpu.memory_space<semaphore_mem>>
        %dma_start3A_225 = arith.constant 0 : i32
        %dma_start3A_226 = tpu.memref_slice %arg4[%multiple_of3A_160, %dma_start3A_225] : memref<524288x64xf32, #tpu.memory_space<hbm>> -> memref<512x64xf32, #tpu.memory_space<hbm>>
        %dma_start3A_227 = arith.constant 0 : i32
        %dma_start3A_228 = tpu.memref_slice %arg4[%multiple_of3A_160, %dma_start3A_227] : memref<524288x64xf32, #tpu.memory_space<hbm>> -> memref<512x64xf32, #tpu.memory_space<hbm>>
        tpu.enqueue_dma source(%arg6 : memref<512x64xf32, #tpu.memory_space<vmem>>) target(%dma_start3A_228 : memref<512x64xf32, #tpu.memory_space<hbm>>) target_semaphore(%run_scoped3A : memref<!tpu.dma_semaphore, #tpu.memory_space<semaphore_mem>>)
        %dma_wait3A_229 = arith.constant 0 : i32
        %dma_wait3A_230 = tpu.memref_slice %arg4[%multiple_of3A_160, %dma_wait3A_229] : memref<524288x64xf32, #tpu.memory_space<hbm>> -> memref<512x64xf32, #tpu.memory_space<hbm>>
        %dma_wait3A_231 = arith.constant 0 : i32
        %dma_wait3A_232 = tpu.memref_slice %arg4[%multiple_of3A_160, %dma_wait3A_231] : memref<524288x64xf32, #tpu.memory_space<hbm>> -> memref<512x64xf32, #tpu.memory_space<hbm>>
        tpu.wait_dma2 semaphore(%run_scoped3A : memref<!tpu.dma_semaphore, #tpu.memory_space<semaphore_mem>>) src(%arg6 : memref<512x64xf32, #tpu.memory_space<vmem>>) dst(%dma_wait3A_232 : memref<512x64xf32, #tpu.memory_space<hbm>>)
        tpu.yield
      }) : () -> ()
      %add3A_161 = arith.constant 1 : i32
      %add3A_162 = arith.addi %scan3A_49, %add3A_161 : i32
      %lt3A = arith.constant 16 : i32
      %lt3A_163 = arith.cmpi slt, %add3A_162, %lt3A : i32
      %convert_element_type3A = arith.extui %lt3A_163 : i1 to i32
      %cond3A = arith.constant 0 : i32
      %cond3A_164 = arith.cmpi ne, %convert_element_type3A, %cond3A : i32
      scf.if %cond3A_164 {
        %add3A_225 = arith.constant 2 : i32
        %add3A_226 = arith.addi %mul3A_51, %add3A_225 : i32
        %mul3A_227 = arith.constant 4 : i32
        %mul3A_228 = arith.muli %add3A_226, %mul3A_227 : i32
        %add3A_229 = arith.constant 0 : i32
        %add3A_230 = arith.addi %mul3A_228, %add3A_229 : i32
        %dma_start3A_231 = arith.constant 0 : i32
        %dma_start3A_232 = arith.constant 0 : i32
        %dma_start3A_233 = tpu.memref_slice %arg6[%dma_start3A_231, %dma_start3A_232] : memref<512x64xf32, #tpu.memory_space<vmem>> -> memref<128x64xf32, #tpu.memory_space<vmem>>
        %dma_start3A_234 = arith.constant 0 : i32
        %dma_start3A_235 = tpu.memref_slice %arg5[%add3A_230, %dma_start3A_234] : memref<128x128xi32, #tpu.memory_space<vmem>> -> memref<1x128xi32, #tpu.memory_space<vmem>>
        %dma_start3A_236 = tpu.memref_squeeze %dma_start3A_235 : memref<1x128xi32, #tpu.memory_space<vmem>> -> memref<128xi32, #tpu.memory_space<vmem>>
        %dma_start3A_237 = arith.constant 0 : i32
        %dma_start3A_238 = arith.constant 0 : i32
        %dma_start3A_239 = tpu.memref_slice %arg2[%dma_start3A_237, %dma_start3A_238] : memref<1000000x64xf32, #tpu.memory_space<hbm>> -> memref<1000000x64xf32, #tpu.memory_space<hbm>>
        tpu.enqueue_indirect_dma source(%dma_start3A_239 : memref<1000000x64xf32, #tpu.memory_space<hbm>>) target(%dma_start3A_233 : memref<128x64xf32, #tpu.memory_space<vmem>>) offsets(%dma_start3A_236 : memref<128xi32, #tpu.memory_space<vmem>>) semaphore(%arg8 : memref<!tpu.dma_semaphore, #tpu.memory_space<semaphore_mem>>)
        %mul3A_240 = arith.constant 4 : i32
        %mul3A_241 = arith.muli %add3A_226, %mul3A_240 : i32
        %add3A_242 = arith.constant 1 : i32
        %add3A_243 = arith.addi %mul3A_241, %add3A_242 : i32
        %dma_start3A_244 = arith.constant 128 : i32
        %dma_start3A_245 = arith.constant 0 : i32
        %dma_start3A_246 = tpu.memref_slice %arg6[%dma_start3A_244, %dma_start3A_245] : memref<512x64xf32, #tpu.memory_space<vmem>> -> memref<128x64xf32, #tpu.memory_space<vmem>>
        %dma_start3A_247 = arith.constant 0 : i32
        %dma_start3A_248 = tpu.memref_slice %arg5[%add3A_243, %dma_start3A_247] : memref<128x128xi32, #tpu.memory_space<vmem>> -> memref<1x128xi32, #tpu.memory_space<vmem>>
        %dma_start3A_249 = tpu.memref_squeeze %dma_start3A_248 : memref<1x128xi32, #tpu.memory_space<vmem>> -> memref<128xi32, #tpu.memory_space<vmem>>
        %dma_start3A_250 = arith.constant 0 : i32
        %dma_start3A_251 = arith.constant 0 : i32
        %dma_start3A_252 = tpu.memref_slice %arg2[%dma_start3A_250, %dma_start3A_251] : memref<1000000x64xf32, #tpu.memory_space<hbm>> -> memref<1000000x64xf32, #tpu.memory_space<hbm>>
        tpu.enqueue_indirect_dma source(%dma_start3A_252 : memref<1000000x64xf32, #tpu.memory_space<hbm>>) target(%dma_start3A_246 : memref<128x64xf32, #tpu.memory_space<vmem>>) offsets(%dma_start3A_249 : memref<128xi32, #tpu.memory_space<vmem>>) semaphore(%arg8 : memref<!tpu.dma_semaphore, #tpu.memory_space<semaphore_mem>>)
        %mul3A_253 = arith.constant 4 : i32
        %mul3A_254 = arith.muli %add3A_226, %mul3A_253 : i32
        %add3A_255 = arith.constant 2 : i32
        %add3A_256 = arith.addi %mul3A_254, %add3A_255 : i32
        %dma_start3A_257 = arith.constant 256 : i32
        %dma_start3A_258 = arith.constant 0 : i32
        %dma_start3A_259 = tpu.memref_slice %arg6[%dma_start3A_257, %dma_start3A_258] : memref<512x64xf32, #tpu.memory_space<vmem>> -> memref<128x64xf32, #tpu.memory_space<vmem>>
        %dma_start3A_260 = arith.constant 0 : i32
        %dma_start3A_261 = tpu.memref_slice %arg5[%add3A_256, %dma_start3A_260] : memref<128x128xi32, #tpu.memory_space<vmem>> -> memref<1x128xi32, #tpu.memory_space<vmem>>
        %dma_start3A_262 = tpu.memref_squeeze %dma_start3A_261 : memref<1x128xi32, #tpu.memory_space<vmem>> -> memref<128xi32, #tpu.memory_space<vmem>>
        %dma_start3A_263 = arith.constant 0 : i32
        %dma_start3A_264 = arith.constant 0 : i32
        %dma_start3A_265 = tpu.memref_slice %arg2[%dma_start3A_263, %dma_start3A_264] : memref<1000000x64xf32, #tpu.memory_space<hbm>> -> memref<1000000x64xf32, #tpu.memory_space<hbm>>
        tpu.enqueue_indirect_dma source(%dma_start3A_265 : memref<1000000x64xf32, #tpu.memory_space<hbm>>) target(%dma_start3A_259 : memref<128x64xf32, #tpu.memory_space<vmem>>) offsets(%dma_start3A_262 : memref<128xi32, #tpu.memory_space<vmem>>) semaphore(%arg8 : memref<!tpu.dma_semaphore, #tpu.memory_space<semaphore_mem>>)
        %mul3A_266 = arith.constant 4 : i32
        %mul3A_267 = arith.muli %add3A_226, %mul3A_266 : i32
        %add3A_268 = arith.constant 3 : i32
        %add3A_269 = arith.addi %mul3A_267, %add3A_268 : i32
        %dma_start3A_270 = arith.constant 384 : i32
        %dma_start3A_271 = arith.constant 0 : i32
        %dma_start3A_272 = tpu.memref_slice %arg6[%dma_start3A_270, %dma_start3A_271] : memref<512x64xf32, #tpu.memory_space<vmem>> -> memref<128x64xf32, #tpu.memory_space<vmem>>
        %dma_start3A_273 = arith.constant 0 : i32
        %dma_start3A_274 = tpu.memref_slice %arg5[%add3A_269, %dma_start3A_273] : memref<128x128xi32, #tpu.memory_space<vmem>> -> memref<1x128xi32, #tpu.memory_space<vmem>>
        %dma_start3A_275 = tpu.memref_squeeze %dma_start3A_274 : memref<1x128xi32, #tpu.memory_space<vmem>> -> memref<128xi32, #tpu.memory_space<vmem>>
        %dma_start3A_276 = arith.constant 0 : i32
        %dma_start3A_277 = arith.constant 0 : i32
        %dma_start3A_278 = tpu.memref_slice %arg2[%dma_start3A_276, %dma_start3A_277] : memref<1000000x64xf32, #tpu.memory_space<hbm>> -> memref<1000000x64xf32, #tpu.memory_space<hbm>>
        tpu.enqueue_indirect_dma source(%dma_start3A_278 : memref<1000000x64xf32, #tpu.memory_space<hbm>>) target(%dma_start3A_272 : memref<128x64xf32, #tpu.memory_space<vmem>>) offsets(%dma_start3A_275 : memref<128xi32, #tpu.memory_space<vmem>>) semaphore(%arg8 : memref<!tpu.dma_semaphore, #tpu.memory_space<semaphore_mem>>)
      } else {
      }
      %add3A_165 = arith.constant 1 : i32
      %add3A_166 = arith.addi %mul3A_51, %add3A_165 : i32
      %mul3A_167 = arith.constant 4 : i32
      %mul3A_168 = arith.muli %add3A_166, %mul3A_167 : i32
      %add3A_169 = arith.constant 0 : i32
      %add3A_170 = arith.addi %mul3A_168, %add3A_169 : i32
      %dma_wait3A_171 = arith.constant 0 : i32
      %dma_wait3A_172 = arith.constant 0 : i32
      %dma_wait3A_173 = tpu.memref_slice %arg7[%dma_wait3A_171, %dma_wait3A_172] : memref<512x64xf32, #tpu.memory_space<vmem>> -> memref<128x64xf32, #tpu.memory_space<vmem>>
      %dma_wait3A_174 = arith.constant 0 : i32
      %dma_wait3A_175 = tpu.memref_slice %arg5[%add3A_170, %dma_wait3A_174] : memref<128x128xi32, #tpu.memory_space<vmem>> -> memref<1x128xi32, #tpu.memory_space<vmem>>
      %dma_wait3A_176 = tpu.memref_squeeze %dma_wait3A_175 : memref<1x128xi32, #tpu.memory_space<vmem>> -> memref<128xi32, #tpu.memory_space<vmem>>
      %dma_wait3A_177 = arith.constant 0 : i32
      %dma_wait3A_178 = arith.constant 0 : i32
      %dma_wait3A_179 = tpu.memref_slice %arg2[%dma_wait3A_177, %dma_wait3A_178] : memref<1000000x64xf32, #tpu.memory_space<hbm>> -> memref<1000000x64xf32, #tpu.memory_space<hbm>>
      tpu.wait_indirect_dma semaphore(%arg9 : memref<!tpu.dma_semaphore, #tpu.memory_space<semaphore_mem>>) src(%dma_wait3A_179 : memref<1000000x64xf32, #tpu.memory_space<hbm>>) dst(%dma_wait3A_173 : memref<128x64xf32, #tpu.memory_space<vmem>>)
      %mul3A_180 = arith.constant 4 : i32
      %mul3A_181 = arith.muli %add3A_166, %mul3A_180 : i32
      %add3A_182 = arith.constant 1 : i32
      %add3A_183 = arith.addi %mul3A_181, %add3A_182 : i32
      %dma_wait3A_184 = arith.constant 128 : i32
      %dma_wait3A_185 = arith.constant 0 : i32
      %dma_wait3A_186 = tpu.memref_slice %arg7[%dma_wait3A_184, %dma_wait3A_185] : memref<512x64xf32, #tpu.memory_space<vmem>> -> memref<128x64xf32, #tpu.memory_space<vmem>>
      %dma_wait3A_187 = arith.constant 0 : i32
      %dma_wait3A_188 = tpu.memref_slice %arg5[%add3A_183, %dma_wait3A_187] : memref<128x128xi32, #tpu.memory_space<vmem>> -> memref<1x128xi32, #tpu.memory_space<vmem>>
      %dma_wait3A_189 = tpu.memref_squeeze %dma_wait3A_188 : memref<1x128xi32, #tpu.memory_space<vmem>> -> memref<128xi32, #tpu.memory_space<vmem>>
      %dma_wait3A_190 = arith.constant 0 : i32
      %dma_wait3A_191 = arith.constant 0 : i32
      %dma_wait3A_192 = tpu.memref_slice %arg2[%dma_wait3A_190, %dma_wait3A_191] : memref<1000000x64xf32, #tpu.memory_space<hbm>> -> memref<1000000x64xf32, #tpu.memory_space<hbm>>
      tpu.wait_indirect_dma semaphore(%arg9 : memref<!tpu.dma_semaphore, #tpu.memory_space<semaphore_mem>>) src(%dma_wait3A_192 : memref<1000000x64xf32, #tpu.memory_space<hbm>>) dst(%dma_wait3A_186 : memref<128x64xf32, #tpu.memory_space<vmem>>)
      %mul3A_193 = arith.constant 4 : i32
      %mul3A_194 = arith.muli %add3A_166, %mul3A_193 : i32
      %add3A_195 = arith.constant 2 : i32
      %add3A_196 = arith.addi %mul3A_194, %add3A_195 : i32
      %dma_wait3A_197 = arith.constant 256 : i32
      %dma_wait3A_198 = arith.constant 0 : i32
      %dma_wait3A_199 = tpu.memref_slice %arg7[%dma_wait3A_197, %dma_wait3A_198] : memref<512x64xf32, #tpu.memory_space<vmem>> -> memref<128x64xf32, #tpu.memory_space<vmem>>
      %dma_wait3A_200 = arith.constant 0 : i32
      %dma_wait3A_201 = tpu.memref_slice %arg5[%add3A_196, %dma_wait3A_200] : memref<128x128xi32, #tpu.memory_space<vmem>> -> memref<1x128xi32, #tpu.memory_space<vmem>>
      %dma_wait3A_202 = tpu.memref_squeeze %dma_wait3A_201 : memref<1x128xi32, #tpu.memory_space<vmem>> -> memref<128xi32, #tpu.memory_space<vmem>>
      %dma_wait3A_203 = arith.constant 0 : i32
      %dma_wait3A_204 = arith.constant 0 : i32
      %dma_wait3A_205 = tpu.memref_slice %arg2[%dma_wait3A_203, %dma_wait3A_204] : memref<1000000x64xf32, #tpu.memory_space<hbm>> -> memref<1000000x64xf32, #tpu.memory_space<hbm>>
      tpu.wait_indirect_dma semaphore(%arg9 : memref<!tpu.dma_semaphore, #tpu.memory_space<semaphore_mem>>) src(%dma_wait3A_205 : memref<1000000x64xf32, #tpu.memory_space<hbm>>) dst(%dma_wait3A_199 : memref<128x64xf32, #tpu.memory_space<vmem>>)
      %mul3A_206 = arith.constant 4 : i32
      %mul3A_207 = arith.muli %add3A_166, %mul3A_206 : i32
      %add3A_208 = arith.constant 3 : i32
      %add3A_209 = arith.addi %mul3A_207, %add3A_208 : i32
      %dma_wait3A_210 = arith.constant 384 : i32
      %dma_wait3A_211 = arith.constant 0 : i32
      %dma_wait3A_212 = tpu.memref_slice %arg7[%dma_wait3A_210, %dma_wait3A_211] : memref<512x64xf32, #tpu.memory_space<vmem>> -> memref<128x64xf32, #tpu.memory_space<vmem>>
      %dma_wait3A_213 = arith.constant 0 : i32
      %dma_wait3A_214 = tpu.memref_slice %arg5[%add3A_209, %dma_wait3A_213] : memref<128x128xi32, #tpu.memory_space<vmem>> -> memref<1x128xi32, #tpu.memory_space<vmem>>
      %dma_wait3A_215 = tpu.memref_squeeze %dma_wait3A_214 : memref<1x128xi32, #tpu.memory_space<vmem>> -> memref<128xi32, #tpu.memory_space<vmem>>
      %dma_wait3A_216 = arith.constant 0 : i32
      %dma_wait3A_217 = arith.constant 0 : i32
      %dma_wait3A_218 = tpu.memref_slice %arg2[%dma_wait3A_216, %dma_wait3A_217] : memref<1000000x64xf32, #tpu.memory_space<hbm>> -> memref<1000000x64xf32, #tpu.memory_space<hbm>>
      tpu.wait_indirect_dma semaphore(%arg9 : memref<!tpu.dma_semaphore, #tpu.memory_space<semaphore_mem>>) src(%dma_wait3A_218 : memref<1000000x64xf32, #tpu.memory_space<hbm>>) dst(%dma_wait3A_212 : memref<128x64xf32, #tpu.memory_space<vmem>>)
      %add3A_219 = arith.constant 1 : i32
      %add3A_220 = arith.addi %mul3A_51, %add3A_219 : i32
      %mul3A_221 = arith.constant 512 : i32
      %mul3A_222 = arith.muli %add3A_220, %mul3A_221 : i32
      %add3A_223 = arith.addi %mul3A_2, %mul3A_222 : i32
      %multiple_of3A_224 = tpu.assume_multiple %add3A_223, 512 : i32
      "tpu.region"() ({
        %run_scoped3A = tpu.sem_alloc : memref<!tpu.dma_semaphore, #tpu.memory_space<semaphore_mem>>
        %dma_start3A_225 = arith.constant 0 : i32
        %dma_start3A_226 = tpu.memref_slice %arg4[%multiple_of3A_224, %dma_start3A_225] : memref<524288x64xf32, #tpu.memory_space<hbm>> -> memref<512x64xf32, #tpu.memory_space<hbm>>
        %dma_start3A_227 = arith.constant 0 : i32
        %dma_start3A_228 = tpu.memref_slice %arg4[%multiple_of3A_224, %dma_start3A_227] : memref<524288x64xf32, #tpu.memory_space<hbm>> -> memref<512x64xf32, #tpu.memory_space<hbm>>
        tpu.enqueue_dma source(%arg7 : memref<512x64xf32, #tpu.memory_space<vmem>>) target(%dma_start3A_228 : memref<512x64xf32, #tpu.memory_space<hbm>>) target_semaphore(%run_scoped3A : memref<!tpu.dma_semaphore, #tpu.memory_space<semaphore_mem>>)
        %dma_wait3A_229 = arith.constant 0 : i32
        %dma_wait3A_230 = tpu.memref_slice %arg4[%multiple_of3A_224, %dma_wait3A_229] : memref<524288x64xf32, #tpu.memory_space<hbm>> -> memref<512x64xf32, #tpu.memory_space<hbm>>
        %dma_wait3A_231 = arith.constant 0 : i32
        %dma_wait3A_232 = tpu.memref_slice %arg4[%multiple_of3A_224, %dma_wait3A_231] : memref<524288x64xf32, #tpu.memory_space<hbm>> -> memref<512x64xf32, #tpu.memory_space<hbm>>
        tpu.wait_dma2 semaphore(%run_scoped3A : memref<!tpu.dma_semaphore, #tpu.memory_space<semaphore_mem>>) src(%arg7 : memref<512x64xf32, #tpu.memory_space<vmem>>) dst(%dma_wait3A_232 : memref<512x64xf32, #tpu.memory_space<hbm>>)
        tpu.yield
      }) : () -> ()
    }
    %scan3A_48 = arith.constant 16 : i32
    return
  }
}

</mosaic_0001>

<sc_bundles>
// kernel: kernel.3.cloned.1.call-start
scs
__scs_entry_jumppad:
0x0: {  	(pc) =	sbr.rel $0x88, $3  }
0x1: {  	(tag) =	ssettag $0x0;
	lr =	simm.s32 $0x1  }
0x2: {  	[smem:$0x3F9D] =	sst lr;
	_ =	strace $0xD0000000  }
0x3: {  	_ = 	snop  }
0x4: {  	_ = 	snop  }
0x5: {  	_ = 	snop  }
0x6: {  	_ = 	snop  }
0x7: {  	_ = 	snop  }
__scs_overlays_trampoline_lowered:
0x8: {  	[smem:$0x3FAC] =	sst s0  }
0x9: {  	[smem:$0x3FAD] =	sst s1  }
0xa: {  	[smem:$0x3FAE] =	sst s2  }
0xb: {  	[smem:$0x3FAF] =	sst s3  }
0xc: {  	[smem:$0x3FB0] =	sst s4  }
0xd: {  	[smem:$0x3FB1] =	sst s5  }
0xe: {  	[smem:$0x3FB2] =	sst s6  }
0xf: {  	[smem:$0x3FB3] =	sst s7  }
0x10: {  	[smem:$0x3FB4] =	sst s8  }
0x11: {  	[smem:$0x3FB5] =	sst s9;
	s0 =	simm.s32 @!p0 $0x0  }
0x12: {  	s1 =	sld [smem:$0x3F9B];
	s0 =	simm.s32 @p0 $0x1  }
0x13: {  	[smem:$0x3FB6] =	sst s0;
	s0 =	simm.s32 @!p1 $0x0  }
0x14: {  	s2 =	sld [smem:$0x3F9A];
	s0 =	simm.s32 @p1 $0x1  }
0x15: {  	[smem:$0x3FB7] =	sst s0;
	s0 =	simm.s32 @!p2 $0x0  }
0x16: {  	s3 =	sld [smem:$0x3FDB];
	s0 =	simm.s32 @p2 $0x1  }
0x17: {  	s4 =	simm.s32 $0x1BF5;
	[smem:$0x3FB9] =	sst s0  }
0x18: {  	s0 =	sld [smem:$0x3F9C];
	_ =	swait.ge [sflag:s4], $0x0  }
0x19: {  	s7 =	sld [smem:$0x3F9D]  }
0x1a: {  	s8 =	sadd.s32 $0xFFFFE003, lr  }
0x1b: {  	s9 =	sadd.s32 $0xFFFFFEF7, lr;
	s5 =	simm.s32 $0xFFFFFFFF;
	p2 =	slt.u32 s8, $0xFFFFF086  }
0x1c: {  	p1 =	slt.u32 s9, $0xF7A;
	s5 =	simm.s32 @!p2 $0x0  }
0x1d: {  	s5 =	simm.s32 @p1 $0x1;
	p0 =	seq.s32 s7, s2  }
0x1e: {  	s7 =	smul.u32 @!p0 $0xF7A, s2;
	p2 =	seq.s32 @!p0 s5, $0x0  }
0x1f: {  	s9 =	smul.u32 $0xF7A, s1;
	s8 =	simm.s32 @!p0 $0x1BF5;
	p2 =	por !p2, p0  }
0x20: {  	[sflag:s8] =	ssyncset.s32 @!p0 $0xFFFFF086;
	s6 =	sadd.s32 @!p0 s3, s7;
	s7 =	simm.s32 @!p0 $0x108  }
0x21: {  	s3 =	sadd.s32 s3, s9;
	s6 =	sadd.s32 @!p0 $0x88, s6;
	s7 =	simm.s32 @p2 $0x1082  }
0x22: {  	[simem:s7], [sflag:s8] =	dma.local @!p0 [hbm:s6], $0xF7A  }
0x23: {  	s9 =	sor.u32 $0xD0000000, s2;
	s6 =	simm.s32 $0x108;
	_ =	swait.ge @!p0 [sflag:s8], $0x0  }
0x24: {  	s3 =	sadd.s32 $0x88, s3;
	s6 =	simm.s32 @!p1 $0x1082;
	[sflag:s4] =	ssyncset.s32 $0xFFFFF086  }
0x25: {  	[simem:s6], [sflag:s4] =	dma.local [hbm:s3], $0xF7A  }
0x26: {  	[smem:$0x3F9D] =	sst s1;
	(tag) =	ssettag s2;
	_ =	strace s9  }
0x27: {  	s1 =	sld [smem:$0x3FAD]  }
0x28: {  	s2 =	sld [smem:$0x3FAE]  }
0x29: {  	s4 =	sld [smem:$0x3FB0]  }
0x2a: {  	p0 =	seq.s32 s5, $0x0;
	s5 =	sld [smem:$0x3FB1]  }
0x2b: {  	s6 =	sld [smem:$0x3FB2]  }
0x2c: {  	s7 =	sld [smem:$0x3FB3]  }
0x2d: {  	s3 =	simm.s32 $0x108;
	s8 =	sld [smem:$0x3FB4]  }
0x2e: {  	s3 =	simm.s32 @!p0 $0x1082;
	s9 =	sld [smem:$0x3FB5]  }
0x2f: {  	lr =	sadd.s32 s0, s3;
	s0 =	sld [smem:$0x3FAC]  }
0x30: {  	s3 =	sld [smem:$0x3FAF]  }
0x31: {  	[smem:$0x3FB8] =	sst s10  }
0x32: {  	s10 =	sld [smem:$0x3FB6];
	_ =	sdelay $0x3  }
0x33: {  	p0 =	seq.s32 s10, $0x1;
	s10 =	sld [smem:$0x3FB8];
	_ =	sdelay $0x3  }
0x34: {  	[smem:$0x3FB8] =	sst s10  }
0x35: {  	s10 =	sld [smem:$0x3FB7];
	_ =	sdelay $0x3  }
0x36: {  	p1 =	seq.s32 s10, $0x1;
	s10 =	sld [smem:$0x3FB8];
	_ =	sdelay $0x3  }
0x37: {  	[smem:$0x3FB8] =	sst s10  }
0x38: {  	s10 =	sld [smem:$0x3FB9]  }
0x39: {  	_ = 	snop;
	(pc) =	sbr.ind lr, $3  }
0x3a: {  	_ = 	snop  }
0x3b: {  	_ = 	snop  }
0x3c: {  	p2 =	seq.s32 s10, $0x1;
	s10 =	sld [smem:$0x3FB8]  }
0x3d: {  	_ =	shalt  }
0x3e: {  	_ =	shalt  }
0x3f: {  	_ =	shalt  }
0x40: {  	_ =	shalt  }
0x41: {  	_ =	shalt  }
0x42: {  	_ =	shalt  }
0x43: {  	_ =	shalt  }
0x44: {  	_ =	shalt  }
0x45: {  	_ =	shalt  }
0x46: {  	_ =	shalt  }
0x47: {  	_ =	shalt  }
0x48: {  	_ =	shalt  }
0x49: {  	_ =	shalt  }
0x4a: {  	_ =	shalt  }
0x4b: {  	_ =	shalt  }
0x4c: {  	_ =	shalt  }
0x4d: {  	_ =	shalt  }
0x4e: {  	_ =	shalt  }
0x4f: {  	_ =	shalt  }
0x50: {  	_ =	shalt  }
0x51: {  	_ =	shalt  }
0x52: {  	_ =	shalt  }
0x53: {  	_ =	shalt  }
0x54: {  	_ =	shalt  }
0x55: {  	_ =	shalt  }
0x56: {  	_ =	shalt  }
0x57: {  	_ =	shalt  }
0x58: {  	_ =	shalt  }
0x59: {  	_ =	shalt  }
0x5a: {  	_ =	shalt  }
0x5b: {  	_ =	shalt  }
0x5c: {  	_ =	shalt  }
0x5d: {  	_ =	shalt  }
0x5e: {  	_ =	shalt  }
0x5f: {  	_ =	shalt  }
0x60: {  	_ =	shalt  }
0x61: {  	_ =	shalt  }
0x62: {  	_ =	shalt  }
0x63: {  	_ =	shalt  }
0x64: {  	_ =	shalt  }
0x65: {  	_ =	shalt  }
0x66: {  	_ =	shalt  }
0x67: {  	_ =	shalt  }
0x68: {  	_ =	shalt  }
0x69: {  	_ =	shalt  }
0x6a: {  	_ =	shalt  }
0x6b: {  	_ =	shalt  }
0x6c: {  	_ =	shalt  }
0x6d: {  	_ =	shalt  }
0x6e: {  	_ =	shalt  }
0x6f: {  	_ =	shalt  }
0x70: {  	_ =	shalt  }
0x71: {  	_ =	shalt  }
0x72: {  	_ =	shalt  }
0x73: {  	_ =	shalt  }
0x74: {  	_ =	shalt  }
0x75: {  	_ =	shalt  }
0x76: {  	_ =	shalt  }
0x77: {  	_ =	shalt  }
0x78: {  	_ =	shalt  }
0x79: {  	_ =	shalt  }
0x7a: {  	_ =	shalt  }
0x7b: {  	_ =	shalt  }
0x7c: {  	_ =	shalt  }
0x7d: {  	_ =	shalt  }
0x7e: {  	_ =	shalt  }
0x7f: {  	_ =	shalt  }
0x80: {  	_ =	shalt  }
0x81: {  	_ =	shalt  }
0x82: {  	_ =	shalt  }
0x83: {  	_ =	shalt  }
0x84: {  	_ =	shalt  }
0x85: {  	_ =	shalt  }
0x86: {  	_ =	shalt  }
0x87: {  	_ =	shalt  }
.Lfunc_end0:
.L_simem_size_0:
called_computation.2_lowered:
.L_overlay_start_0:
0x88: {  	s2 =	sld [smem:$0x3FD9]  }
0x89: {  	s3 =	sld [smem:$0x3FFE];
	_ =	sdelay $0x1  }
0x8a: {  	s1 =	srdreg.scid  }
0x8b: {  	s0 =	sand.u32 $0x1, s1  }
0x8c: {  	s17 =	sshll.u32 s0, $0xA;
	s2 =	sadd.s32 s3, s2  }
0x8d: {  	s2 =	sadd.s32 s2, s17  }
0x8e: {  	[smem:$0x3FC4] =	sst s2  }
0x8f: {  	_ = 	snop  }
0x90: {  	s2 =	sld [smem:$0x3FD0];
	(tm) =	ssettm $0x1  }
0x91: {  	s18 =	sld [smem:$0x3FFB];
	_ =	sdelay $0x3  }
0x92: {  	_ =	strace s18  }
0x93: {  	s3 =	sld [smem:$0x3FFC];
	_ =	sdelay $0x3  }
0x94: {  	_ =	strace s3  }
0x95: {  	s3 =	sld [smem:$0x3FFD];
	_ =	sdelay $0x3  }
0x96: {  	_ =	strace s3  }
0x97: {  	_ =	strace $0x8FFFFFFF  }
0x98: {  	s19 =	sld [smem:$0x3FDB];
	_ =	sdelay $0x1  }
0x99: {  	s4 =	simm.s32 $_scs_section_size  }
0x9a: {  	s5 =	simm.s32 $_size__tile_overlayer_lowered;
	s6 =	simm.s32 $_tile_overlayer_lowered  }
0x9b: {  	s22 =	simm.s32 $0x1BFF;
	s21 =	sshll.u32 s6, $0x1;
	s3 =	sadd.s32 s4, s19  }
0x9c: {  	s7 =	simm.s32 $0x0;
	s20 =	sshll.u32 s5, $0x1;
	s5 =	sadd.s32 s21, s3  }
0x9d: {  	[timem:s7], [sflag:s22] =	dma.local [hbm:s5], s20  }
0x9e: {  	_ =	swait.ge [sflag:s22], s20  }
0x9f: {  	s4 =	ssub.s32 $0x0, s20;
	[sflag:s22] =	ssyncset.done $0x0  }
0xa0: {  	[sflag:s22] =	ssyncadd.s32 s4;
	_ =	sdelay $0x1  }
0xa1: {  	s23 =	simm.s32 $0x1B8B  }
0xa2: {  	_ =	swait.ge [sflag:s23], $0x1  }
0xa3: {  	[sflag:s23] =	ssyncset.done $0x0  }
0xa4: {  	s25 =	simm.s32 $0x1B8E;
	s24 =	sld [smem:$0x3FFE];
	[sflag:s23] =	ssyncadd.s32 $0xFFFFFFFF  }
0xa5: {  	s26 =	simm.s32 $execute0_lowered;
	[smem:$0x3FD2] =	sst s25  }
0xa6: {  	s5 =	sshll.u32 s26, $0x1;
	_ =	strace $0x80000049;
	[dreg:$0x1] =	wrdreg $0xFFFFFFFF  }
0xa7: {  	s28 =	simm.s32 $_size_execute0_lowered;
	s3 =	sadd.s32 s3, s5;
	[dreg:$0x0] =	wrdreg $0x0  }
0xa8: {  	s5 =	sshll.u32 s28, $0x1;
	[dreg:$0x2] =	wrdreg s3  }
0xa9: {  	[dreg:$0x3] =	wrdreg s5  }
0xaa: {  	[dreg:$0x4] =	wrdreg $0xC0  }
0xab: {  	_ =	task [dreg:s7], $0x5FFFF  }
0xac: {  	[dreg:$0x1] =	wrdreg $0xFFFFFFFF  }
0xad: {  	[dreg:$0x0] =	wrdreg $0x60  }
0xae: {  	[dreg:$0x2] =	wrdreg s24  }
0xaf: {  	[dreg:$0x3] =	wrdreg s2  }
0xb0: {  	[dreg:$0x4] =	wrdreg $0x9  }
0xb1: {  	_ =	task.clear_ibuf [dreg:s7], $0x5FFFF;
	_ =	strace $0x90000049  }
0xb2: {  	s29 =	simm.s32 $0x9;
	_ =	strace $0x8000004B  }
0xb3: {  	_ =	swait.ge [sflag:s29], $0x1  }
0xb4: {  	[sflag:s29] =	ssyncadd.s32 $0xFFFFFFFF  }
0xb5: {  	_ =	strace $0x9000004B  }
0xb6: {  	_ =	sfence  }
0xb7: {  	s30 =	sld [smem:$0x0];
	_ =	sdelay $0x2  }
0xb8: {  	s31 =	sshll.u32 s1, $0xD;
	s1 =	sshrl.u32 s1, $0x2  }
0xb9: {  	s3 =	sand.u32 $0x4000, s31;
	s1 =	sadd.s32 s1, s30  }
0xba: {  	s0 =	sor.u32 s3, s0;
	s1 =	sshll.u32 s1, $0x11  }
0xbb: {  	s0 =	sor.u32 s1, s0  }
0xbc: {  	s0 =	sadd.s32 $0x8F2B, s0  }
0xbd: {  	[sflag:s0] =	ssyncadd.remote.s32 $0x1  }
0xbe: {  	_ =	sfence.sel $0xFFFF  }
0xbf: {  	[dreg:$0x0] =	wrdreg $0xFFFFFFFF;
	(pc) =	sbr.abs _section_cstart, $3  }
0xc0: {  	[dreg:$0x1] =	wrdreg $0xFFFFFFFF  }
0xc1: {  	_ =	task.clear_ibuf [dreg:s7], $0x2FFFF;
	_ =	strace $0x9FFFFFFF  }
0xc2: {  	(tm) =	ssettm $0x7FFFFFFF  }
0xc3: {  	_ =	shalt  }
tec
execute0_lowered:
.L_overlay_start_1:
0x0: {  	(tag) =	ssettag $0x1  }
0x1: {  	s0 =	rddreg [dreg:$0x0]  }
0x2: {  	s1 =	rddreg [dreg:$0x1]  }
0x3: {  	s3 =	srdreg.scid;
	s8 =	stileid.u32;
	s2 =	simm.s32 $0x0  }
0x4: {  	s9 =	simm.s32 $0x3;
	s10 =	simm.s32 $0x80;
	s11 =	simm.s32 $0x4000  }
0x5: {  	s12 =	simm.s32 $0x6000;
	s14 =	simm.s32 $0x8000;
	s15 =	simm.s32 $0x180  }
0x6: {  	s16 =	simm.s32 $0xA000;
	s17 =	simm.s32 $0xC000;
	s18 =	simm.s32 $0xE000  }
0x7: {  	s19 =	simm.s32 $0x10000;
	s20 =	simm.s32 $0x12000;
	s21 =	simm.s32 $0x1  }
0x8: {  	s22 =	simm.s32 $0x2;
	s23 =	simm.s32 $0x3E00;
	s24 =	simm.s32 $0x3E80  }
0x9: {  	s28 =	simm.s32 $0x0;
	s7 =	sand.u32 $0x1, s3;
	s25 =	sshll.u32 s8, $0x1  }
0xa: {  	[smem:$0x7FF] =	sst s2;
	s3 =	sadd.s32 $0x1000, s0;
	s8 =	sshll.u32 s8, $0x12  }
0xb: {  	s4 =	sor.u32 s7, s25;
	_ =	strace $0x8000004A;
	s6 =	ssub.s32 $0x2, s7  }
0xc: {  	s31 =	sshll.u32 s7, $0x11;
	s25 =	simm.s32 $0x3F00;
	s5 =	sshll.u32 s4, $0xB  }
0xd: {  	s26 =	sshrl.u32 s6, $0x1;
	s29 =	sshll.u32 s4, $0x11;
	s0 =	sadd.s32 s5, s0  }
0xe: {  	s5 =	ssub.s32 s6, s26;
	s30 =	sadd.s32 s1, s29;
	s1 =	sadd.s32 s8, s1  }
0xf: {  	s26 =	simm.s32 $0x3F80;
	s4 =	sadd.s32 $0x16E4800, s0;
	s5 =	smax.u32 s5, $0x1  }
0x10: {  	s6 =	sadd.s32 $0x1E000, s30;
	s7 =	sadd.s32 $0x1F000, s30;
	s8 =	sadd.s32 s31, s1  }
.LBB2_1:
0x11: {  	[tilespmem:s2], [sflag:$0x3] =	stream.linear.gather [hbm4b:s4+s2], $0x4000, $0x38;
	[tilespmem:$0x14000] =	vst v63  }
0x12: {  	_ =	swait.ge [sflag:s9], $0x4000  }
0x13: {  	[sflag:s9] =	ssyncset.done $0x0  }
0x14: {  	[sflag:s9] =	ssyncadd.s32 $0xFFFFC000  }
0x15: {  	[tilespmem:s11], [sflag:$0x1] =	stream.indirect.gather [hbm4b:s3+s10], $0x40, s2, s10, $0xb8;
	[tilespmem:$0x14000] =	vst v63  }
0x16: {  	_ = 	snop  }
0x17: {  	[tilespmem:s12], [sflag:$0x1] =	stream.indirect.gather [hbm4b:s3+s10], $0x40, s10, s10, $0xb8;
	[tilespmem:$0x14000] =	vst v63  }
0x18: {  	s0 =	simm.s32 $0x100  }
0x19: {  	[tilespmem:s14], [sflag:$0x1] =	stream.indirect.gather [hbm4b:s3+s10], $0x40, s0, s10, $0xb8;
	[tilespmem:$0x14000] =	vst v63  }
0x1a: {  	_ = 	snop  }
0x1b: {  	[tilespmem:s16], [sflag:$0x1] =	stream.indirect.gather [hbm4b:s3+s10], $0x40, s15, s10, $0xb8;
	[tilespmem:$0x14000] =	vst v63  }
0x1c: {  	s13 =	simm.s32 $0x200  }
0x1d: {  	[tilespmem:s17], [sflag:$0x2] =	stream.indirect.gather [hbm4b:s3+s10], $0x40, s13, s10, $0xb8;
	[tilespmem:$0x14000] =	vst v63  }
0x1e: {  	s1 =	simm.s32 $0x280  }
0x1f: {  	[tilespmem:s18], [sflag:$0x2] =	stream.indirect.gather [hbm4b:s3+s10], $0x40, s1, s10, $0xb8;
	[tilespmem:$0x14000] =	vst v63  }
0x20: {  	s13 =	simm.s32 $0x300  }
0x21: {  	[tilespmem:s19], [sflag:$0x2] =	stream.indirect.gather [hbm4b:s3+s10], $0x40, s13, s10, $0xb8;
	[tilespmem:$0x14000] =	vst v63  }
0x22: {  	s1 =	simm.s32 $0x380  }
0x23: {  	[tilespmem:s20], [sflag:$0x2] =	stream.indirect.gather [hbm4b:s3+s10], $0x40, s1, s10, $0xb8;
	[tilespmem:$0x14000] =	vst v63  }
0x24: {  	_ =	swait.ge [sflag:s21], $0x2000  }
0x25: {  	[sflag:s21] =	ssyncset.done $0x0  }
0x26: {  	[sflag:s21] =	ssyncadd.s32 $0xFFFFE000  }
0x27: {  	_ =	swait.ge [sflag:s21], $0x2000  }
0x28: {  	[sflag:s21] =	ssyncset.done $0x0  }
0x29: {  	[sflag:s21] =	ssyncadd.s32 $0xFFFFE000  }
0x2a: {  	_ =	swait.ge [sflag:s21], $0x2000  }
0x2b: {  	[sflag:s21] =	ssyncset.done $0x0  }
0x2c: {  	[sflag:s21] =	ssyncadd.s32 $0xFFFFE000  }
0x2d: {  	_ =	swait.ge [sflag:s21], $0x2000  }
0x2e: {  	[sflag:s21] =	ssyncset.done $0x0  }
0x2f: {  	[sflag:s21] =	ssyncadd.s32 $0xFFFFE000  }
0x30: {  	[hbm4b:s8+s2] =	stream.linear.scatter [tilespmem:s11], [sflag:$0x3], $0x8000, $0x38;
	[tilespmem:$0x14000] =	vst v63  }
0x31: {  	_ =	swait.ge [sflag:s9], $0x8000  }
0x32: {  	[sflag:s9] =	ssyncset.done $0x0  }
0x33: {  	s13 =	simm.s32 $0x400;
	[sflag:s9] =	ssyncadd.s32 $0xFFFF8000  }
0x34: {  	[tilespmem:s11], [sflag:$0x1] =	stream.indirect.gather [hbm4b:s3+s10], $0x40, s13, s10, $0xb8;
	[tilespmem:$0x14000] =	vst v63  }
0x35: {  	s1 =	simm.s32 $0x480  }
0x36: {  	[tilespmem:s12], [sflag:$0x1] =	stream.indirect.gather [hbm4b:s3+s10], $0x40, s1, s10, $0xb8;
	[tilespmem:$0x14000] =	vst v63  }
0x37: {  	s13 =	simm.s32 $0x500  }
0x38: {  	[tilespmem:s14], [sflag:$0x1] =	stream.indirect.gather [hbm4b:s3+s10], $0x40, s13, s10, $0xb8;
	[tilespmem:$0x14000] =	vst v63  }
0x39: {  	s1 =	simm.s32 $0x580  }
0x3a: {  	[tilespmem:s16], [sflag:$0x1] =	stream.indirect.gather [hbm4b:s3+s10], $0x40, s1, s10, $0xb8;
	[tilespmem:$0x14000] =	vst v63  }
0x3b: {  	_ =	swait.ge [sflag:s22], $0x2000  }
0x3c: {  	[sflag:s22] =	ssyncset.done $0x0  }
0x3d: {  	[sflag:s22] =	ssyncadd.s32 $0xFFFFE000  }
0x3e: {  	_ =	swait.ge [sflag:s22], $0x2000  }
0x3f: {  	[sflag:s22] =	ssyncset.done $0x0  }
0x40: {  	[sflag:s22] =	ssyncadd.s32 $0xFFFFE000  }
0x41: {  	_ =	swait.ge [sflag:s22], $0x2000  }
0x42: {  	[sflag:s22] =	ssyncset.done $0x0  }
0x43: {  	[sflag:s22] =	ssyncadd.s32 $0xFFFFE000  }
0x44: {  	_ =	swait.ge [sflag:s22], $0x2000  }
0x45: {  	[sflag:s22] =	ssyncset.done $0x0  }
0x46: {  	s13 =	sadd.s32 $0x1000, s8;
	[sflag:s22] =	ssyncadd.s32 $0xFFFFE000  }
0x47: {  	[hbm4b:s13+s2] =	stream.linear.scatter [tilespmem:s17], [sflag:$0x3], $0x8000, $0x38;
	[tilespmem:$0x14000] =	vst v63  }
0x48: {  	s31 =	simm.s32 $0x2000;
	_ =	swait.ge [sflag:s9], $0x8000  }
0x49: {  	s30 =	simm.s32 $0x400;
	s29 =	sadd.s32 $0x2000, s8;
	[sflag:s9] =	ssyncset.done $0x0  }
.LBB2_2:
0x4a: {  	s13 =	sadd.s32 $0x200, s30  }
0x4b: {  	[sflag:s9] =	ssyncadd.s32 $0xFFFF8000;
	s0 =	smov.u32 s31;
	s1 =	sadd.s32 $0x1000, s31  }
0x4c: {  	[tilespmem:s17], [sflag:$0x2] =	stream.indirect.gather [hbm4b:s3+s10], $0x40, s13, s10, $0xb8;
	[tilespmem:$0x14000] =	vst v63  }
0x4d: {  	p0 =	sne.s32 s31, $0xE000;
	s13 =	sadd.s32 $0x280, s30  }
0x4e: {  	[tilespmem:s18], [sflag:$0x2] =	stream.indirect.gather [hbm4b:s3+s10], $0x40, s13, s10, $0xb8;
	[tilespmem:$0x14000] =	vst v63  }
0x4f: {  	s13 =	sadd.s32 $0x300, s30  }
0x50: {  	[tilespmem:s19], [sflag:$0x2] =	stream.indirect.gather [hbm4b:s3+s10], $0x40, s13, s10, $0xb8;
	[tilespmem:$0x14000] =	vst v63  }
0x51: {  	s13 =	sadd.s32 $0x380, s30  }
0x52: {  	[tilespmem:s20], [sflag:$0x2] =	stream.indirect.gather [hbm4b:s3+s10], $0x40, s13, s10, $0xb8;
	[tilespmem:$0x14000] =	vst v63  }
0x53: {  	_ =	swait.ge [sflag:s21], $0x2000  }
0x54: {  	[sflag:s21] =	ssyncset.done $0x0  }
0x55: {  	[sflag:s21] =	ssyncadd.s32 $0xFFFFE000  }
0x56: {  	_ =	swait.ge [sflag:s21], $0x2000  }
0x57: {  	[sflag:s21] =	ssyncset.done $0x0  }
0x58: {  	[sflag:s21] =	ssyncadd.s32 $0xFFFFE000  }
0x59: {  	_ =	swait.ge [sflag:s21], $0x2000  }
0x5a: {  	[sflag:s21] =	ssyncset.done $0x0  }
0x5b: {  	[sflag:s21] =	ssyncadd.s32 $0xFFFFE000  }
0x5c: {  	_ =	swait.ge [sflag:s21], $0x2000  }
0x5d: {  	[sflag:s21] =	ssyncset.done $0x0  }
0x5e: {  	[sflag:s21] =	ssyncadd.s32 $0xFFFFE000  }
0x5f: {  	[hbm4b:s29+s2] =	stream.linear.scatter [tilespmem:s11], [sflag:$0x3], $0x8000, $0x38;
	[tilespmem:$0x14000] =	vst v63  }
0x60: {  	_ =	swait.ge [sflag:s9], $0x8000  }
0x61: {  	[sflag:s9] =	ssyncset.done $0x0  }
0x62: {  	s13 =	sadd.s32 $0x400, s30;
	[sflag:s9] =	ssyncadd.s32 $0xFFFF8000  }
0x63: {  	[tilespmem:s11], [sflag:$0x1] =	stream.indirect.gather [hbm4b:s3+s10], $0x40, s13, s10, $0xb8;
	[tilespmem:$0x14000] =	vst v63  }
0x64: {  	s13 =	sadd.s32 $0x480, s30  }
0x65: {  	[tilespmem:s12], [sflag:$0x1] =	stream.indirect.gather [hbm4b:s3+s10], $0x40, s13, s10, $0xb8;
	[tilespmem:$0x14000] =	vst v63  }
0x66: {  	s13 =	sadd.s32 $0x500, s30  }
0x67: {  	[tilespmem:s14], [sflag:$0x1] =	stream.indirect.gather [hbm4b:s3+s10], $0x40, s13, s10, $0xb8;
	[tilespmem:$0x14000] =	vst v63  }
0x68: {  	s13 =	sadd.s32 $0x580, s30  }
0x69: {  	[tilespmem:s16], [sflag:$0x1] =	stream.indirect.gather [hbm4b:s3+s10], $0x40, s13, s10, $0xb8;
	[tilespmem:$0x14000] =	vst v63  }
0x6a: {  	_ =	swait.ge [sflag:s22], $0x2000  }
0x6b: {  	[sflag:s22] =	ssyncset.done $0x0  }
0x6c: {  	[sflag:s22] =	ssyncadd.s32 $0xFFFFE000  }
0x6d: {  	_ =	swait.ge [sflag:s22], $0x2000  }
0x6e: {  	[sflag:s22] =	ssyncset.done $0x0  }
0x6f: {  	[sflag:s22] =	ssyncadd.s32 $0xFFFFE000  }
0x70: {  	_ =	swait.ge [sflag:s22], $0x2000  }
0x71: {  	[sflag:s22] =	ssyncset.done $0x0  }
0x72: {  	[sflag:s22] =	ssyncadd.s32 $0xFFFFE000  }
0x73: {  	_ =	swait.ge [sflag:s22], $0x2000  }
.Ltmp0:
0x74: {  	[sflag:s22] =	ssyncset.done $0x0;
	(pc) =	sbr.rel @p0 .LBB2_2-.Ltmp0, $4  }
0x75: {  	s13 =	sadd.s32 $0x1000, s29;
	[sflag:s22] =	ssyncadd.s32 $0xFFFFE000  }
0x76: {  	[hbm4b:s13+s2] =	stream.linear.scatter [tilespmem:s17], [sflag:$0x3], $0x8000, $0x38;
	[tilespmem:$0x14000] =	vst v63  }
0x77: {  	s31 =	smov.u32 s1;
	_ =	swait.ge [sflag:s9], $0x8000  }
0x78: {  	s30 =	sshra.s32 s0, $0x2;
	s29 =	sadd.s32 $0x2000, s29;
	[sflag:s9] =	ssyncset.done $0x0  }
0x79: {  	s0 =	sadd.s32 $0x200, s30;
	[sflag:s9] =	ssyncadd.s32 $0xFFFF8000  }
0x7a: {  	[tilespmem:s17], [sflag:$0x2] =	stream.indirect.gather [hbm4b:s3+s10], $0x40, s0, s10, $0xb8;
	[tilespmem:$0x14000] =	vst v63  }
0x7b: {  	s31 =	sadd.s32 $0x280, s30  }
0x7c: {  	[tilespmem:s18], [sflag:$0x2] =	stream.indirect.gather [hbm4b:s3+s10], $0x40, s31, s10, $0xb8;
	[tilespmem:$0x14000] =	vst v63  }
0x7d: {  	s1 =	sadd.s32 $0x300, s30  }
0x7e: {  	[tilespmem:s19], [sflag:$0x2] =	stream.indirect.gather [hbm4b:s3+s10], $0x40, s1, s10, $0xb8;
	[tilespmem:$0x14000] =	vst v63  }
0x7f: {  	s13 =	sadd.s32 $0x380, s30  }
0x80: {  	[tilespmem:s20], [sflag:$0x2] =	stream.indirect.gather [hbm4b:s3+s10], $0x40, s13, s10, $0xb8;
	[tilespmem:$0x14000] =	vst v63  }
0x81: {  	_ =	swait.ge [sflag:s21], $0x2000  }
0x82: {  	[sflag:s21] =	ssyncset.done $0x0  }
0x83: {  	[sflag:s21] =	ssyncadd.s32 $0xFFFFE000  }
0x84: {  	_ =	swait.ge [sflag:s21], $0x2000  }
0x85: {  	[sflag:s21] =	ssyncset.done $0x0  }
0x86: {  	[sflag:s21] =	ssyncadd.s32 $0xFFFFE000  }
0x87: {  	_ =	swait.ge [sflag:s21], $0x2000  }
0x88: {  	[sflag:s21] =	ssyncset.done $0x0  }
0x89: {  	[sflag:s21] =	ssyncadd.s32 $0xFFFFE000  }
0x8a: {  	_ =	swait.ge [sflag:s21], $0x2000  }
0x8b: {  	[sflag:s21] =	ssyncset.done $0x0  }
0x8c: {  	[sflag:s21] =	ssyncadd.s32 $0xFFFFE000  }
0x8d: {  	[hbm4b:s29+s2] =	stream.linear.scatter [tilespmem:s11], [sflag:$0x3], $0x8000, $0x38;
	[tilespmem:$0x14000] =	vst v63  }
0x8e: {  	_ =	swait.ge [sflag:s9], $0x8000  }
0x8f: {  	[sflag:s9] =	ssyncset.done $0x0  }
0x90: {  	s31 =	sadd.s32 $0x400, s30;
	[sflag:s9] =	ssyncadd.s32 $0xFFFF8000  }
0x91: {  	[tilespmem:s11], [sflag:$0x1] =	stream.indirect.gather [hbm4b:s3+s10], $0x40, s31, s10, $0xb8;
	[tilespmem:$0x14000] =	vst v63  }
0x92: {  	s1 =	sadd.s32 $0x480, s30  }
0x93: {  	[tilespmem:s12], [sflag:$0x1] =	stream.indirect.gather [hbm4b:s3+s10], $0x40, s1, s10, $0xb8;
	[tilespmem:$0x14000] =	vst v63  }
0x94: {  	s13 =	sadd.s32 $0x500, s30  }
0x95: {  	[tilespmem:s14], [sflag:$0x1] =	stream.indirect.gather [hbm4b:s3+s10], $0x40, s13, s10, $0xb8;
	[tilespmem:$0x14000] =	vst v63  }
0x96: {  	s30 =	sadd.s32 $0x580, s30  }
0x97: {  	[tilespmem:s16], [sflag:$0x1] =	stream.indirect.gather [hbm4b:s3+s10], $0x40, s30, s10, $0xb8;
	[tilespmem:$0x14000] =	vst v63  }
0x98: {  	_ =	swait.ge [sflag:s22], $0x2000  }
0x99: {  	[sflag:s22] =	ssyncset.done $0x0  }
0x9a: {  	[sflag:s22] =	ssyncadd.s32 $0xFFFFE000  }
0x9b: {  	_ =	swait.ge [sflag:s22], $0x2000  }
0x9c: {  	[sflag:s22] =	ssyncset.done $0x0  }
0x9d: {  	[sflag:s22] =	ssyncadd.s32 $0xFFFFE000  }
0x9e: {  	_ =	swait.ge [sflag:s22], $0x2000  }
0x9f: {  	[sflag:s22] =	ssyncset.done $0x0  }
0xa0: {  	[sflag:s22] =	ssyncadd.s32 $0xFFFFE000  }
0xa1: {  	_ =	swait.ge [sflag:s22], $0x2000  }
0xa2: {  	[sflag:s22] =	ssyncset.done $0x0  }
0xa3: {  	s31 =	sadd.s32 $0x1000, s29;
	[sflag:s22] =	ssyncadd.s32 $0xFFFFE000  }
0xa4: {  	[hbm4b:s31+s2] =	stream.linear.scatter [tilespmem:s17], [sflag:$0x3], $0x8000, $0x38;
	[tilespmem:$0x14000] =	vst v63  }
0xa5: {  	_ =	swait.ge [sflag:s9], $0x8000  }
0xa6: {  	[sflag:s9] =	ssyncset.done $0x0  }
0xa7: {  	[sflag:s9] =	ssyncadd.s32 $0xFFFF8000  }
0xa8: {  	[tilespmem:s17], [sflag:$0x2] =	stream.indirect.gather [hbm4b:s3+s10], $0x40, s23, s10, $0xb8;
	[tilespmem:$0x14000] =	vst v63  }
0xa9: {  	_ = 	snop  }
0xaa: {  	[tilespmem:s18], [sflag:$0x2] =	stream.indirect.gather [hbm4b:s3+s10], $0x40, s24, s10, $0xb8;
	[tilespmem:$0x14000] =	vst v63  }
0xab: {  	_ = 	snop  }
0xac: {  	[tilespmem:s19], [sflag:$0x2] =	stream.indirect.gather [hbm4b:s3+s10], $0x40, s25, s10, $0xb8;
	[tilespmem:$0x14000] =	vst v63  }
0xad: {  	_ = 	snop  }
0xae: {  	[tilespmem:s20], [sflag:$0x2] =	stream.indirect.gather [hbm4b:s3+s10], $0x40, s26, s10, $0xb8;
	[tilespmem:$0x14000] =	vst v63  }
0xaf: {  	_ =	swait.ge [sflag:s21], $0x2000  }
0xb0: {  	[sflag:s21] =	ssyncset.done $0x0  }
0xb1: {  	[sflag:s21] =	ssyncadd.s32 $0xFFFFE000  }
0xb2: {  	_ =	swait.ge [sflag:s21], $0x2000  }
0xb3: {  	[sflag:s21] =	ssyncset.done $0x0  }
0xb4: {  	[sflag:s21] =	ssyncadd.s32 $0xFFFFE000  }
0xb5: {  	_ =	swait.ge [sflag:s21], $0x2000  }
0xb6: {  	[sflag:s21] =	ssyncset.done $0x0  }
0xb7: {  	[sflag:s21] =	ssyncadd.s32 $0xFFFFE000  }
0xb8: {  	_ =	swait.ge [sflag:s21], $0x2000  }
0xb9: {  	[sflag:s21] =	ssyncset.done $0x0  }
0xba: {  	[sflag:s21] =	ssyncadd.s32 $0xFFFFE000  }
0xbb: {  	[hbm4b:s6+s2] =	stream.linear.scatter [tilespmem:s11], [sflag:$0x3], $0x8000, $0x38;
	[tilespmem:$0x14000] =	vst v63  }
0xbc: {  	_ =	swait.ge [sflag:s9], $0x8000  }
0xbd: {  	[sflag:s9] =	ssyncset.done $0x0  }
0xbe: {  	[sflag:s9] =	ssyncadd.s32 $0xFFFF8000  }
0xbf: {  	_ =	swait.ge [sflag:s22], $0x2000  }
0xc0: {  	[sflag:s22] =	ssyncset.done $0x0  }
0xc1: {  	[sflag:s22] =	ssyncadd.s32 $0xFFFFE000  }
0xc2: {  	_ =	swait.ge [sflag:s22], $0x2000  }
0xc3: {  	[sflag:s22] =	ssyncset.done $0x0  }
0xc4: {  	[sflag:s22] =	ssyncadd.s32 $0xFFFFE000  }
0xc5: {  	_ =	swait.ge [sflag:s22], $0x2000  }
0xc6: {  	[sflag:s22] =	ssyncset.done $0x0  }
0xc7: {  	[sflag:s22] =	ssyncadd.s32 $0xFFFFE000  }
0xc8: {  	s28 =	sadd.s32 $0x1, s28;
	_ =	swait.ge [sflag:s22], $0x2000  }
0xc9: {  	p0 =	sne.s32 s28, s5;
	[sflag:s22] =	ssyncset.done $0x0  }
.Ltmp1:
0xca: {  	[sflag:s22] =	ssyncadd.s32 $0xFFFFE000;
	(pc) =	sbr.rel @p0 .LBB2_1-.Ltmp1, $4  }
0xcb: {  	[hbm4b:s7+s2] =	stream.linear.scatter [tilespmem:s17], [sflag:$0x3], $0x8000, $0x38;
	[tilespmem:$0x14000] =	vst v63  }
0xcc: {  	_ =	swait.ge [sflag:s9], $0x8000  }
0xcd: {  	[sflag:s9] =	ssyncset.done $0x0  }
0xce: {  	[sflag:s9] =	ssyncadd.s32 $0xFFFF8000  }
0xcf: {  	_ =	sfence.sel $0x180000  }
0xd0: {  	[bflag:$0x0] =	sbarrier.arrive $0xFFFF  }
0xd1: {  	_ =	strace $0x9000004A  }
0xd2: {  	s0 =	stileid.u32;
	[bflag:$0x2] =	sbarrier.arrive $0xFFFF  }
0xd3: {  	p0 =	sne.s32 s0, $0x0;
	s0 =	rddreg [dreg:$0x2]  }
0xd4: {  	s0 =	sadd.s32 @!p0 $0x100000, s0  }
0xd5: {  	[sflag:s0] =	ssyncadd.tile.s32 @!p0 $0x1;
	_ =	shalt  }
.Lfunc_end2:
_tile_overlayer_lowered:
.L_overlay_start_2:
0xd6: {  	(tag) =	ssettag $0x2  }
0xd7: {  	s0 =	rddreg [dreg:$0x0];
	s2 =	stileid.u32  }
0xd8: {  	s1 =	rddreg [dreg:$0x1];
	p0 =	sne.s32 s2, $0x0  }
0xd9: {  	s3 =	rddreg [dreg:$0x2];
	[bflag:$0x3] =	sbarrier.arrive $0xFFFF;
	s2 =	simm.s32 @!p0 $0x1C03  }
0xda: {  	[timem:s3], [sflag:s2] =	dma.local @!p0 [hbm:s0], s1  }
0xdb: {  	s0 =	simm.s32 @!p0 $0x3  }
0xdc: {  	_ =	swait.ge @!p0 [sflag:s0], s1  }
0xdd: {  	s1 =	ssub.s32 @!p0 $0x0, s1;
	[sflag:s0] =	ssyncset.done @!p0 $0x0  }
0xde: {  	[sflag:s0] =	ssyncadd.s32 @!p0 s1  }
0xdf: {  	[bflag:$0x3] =	sbarrier.arrive $0xFFFF  }
0xe0: {  	_ =	shalt  }

// kernel: sparse-core-data-format-call.1.cloned.1.call-start
scs
called_computation.1_lowered:
.L_overlay_start_0:
0x0: {  	s1 =	sld [smem:$0x3FD9]  }
0x1: {  	s2 =	sld [smem:$0x3FFE];
	_ =	sdelay $0x1  }
0x2: {  	s3 =	srdreg.scid  }
0x3: {  	s0 =	sand.u32 $0x1, s3  }
0x4: {  	s17 =	sshll.u32 s0, $0xA;
	s1 =	sadd.s32 s2, s1  }
0x5: {  	s1 =	sadd.s32 s1, s17  }
0x6: {  	[smem:$0x3FC4] =	sst s1  }
0x7: {  	_ = 	snop  }
0x8: {  	(tm) =	ssettm $0x1  }
0x9: {  	s18 =	sld [smem:$0x3FFB];
	_ =	sdelay $0x3  }
0xa: {  	_ =	strace s18  }
0xb: {  	s1 =	sld [smem:$0x3FFC];
	_ =	sdelay $0x3  }
0xc: {  	_ =	strace s1  }
0xd: {  	s1 =	sld [smem:$0x3FFD];
	_ =	sdelay $0x3  }
0xe: {  	_ =	strace s1  }
0xf: {  	_ =	strace $0x8FFFFFFF  }
0x10: {  	s19 =	sld [smem:$0x3FDB];
	_ =	sdelay $0x1  }
0x11: {  	s20 =	simm.s32 $_scs_section_size  }
0x12: {  	s4 =	simm.s32 $_size__tile_overlayer_lowered;
	s5 =	simm.s32 $_tile_overlayer_lowered  }
0x13: {  	s23 =	simm.s32 $0x1BFF;
	s22 =	sshll.u32 s5, $0x1;
	s1 =	sadd.s32 s20, s19  }
0x14: {  	s6 =	simm.s32 $0x0;
	s21 =	sshll.u32 s4, $0x1;
	s4 =	sadd.s32 s22, s1  }
0x15: {  	[timem:s6], [sflag:s23] =	dma.local [hbm:s4], s21  }
0x16: {  	_ =	swait.ge [sflag:s23], s21  }
0x17: {  	s2 =	ssub.s32 $0x0, s21;
	[sflag:s23] =	ssyncset.done $0x0  }
0x18: {  	[sflag:s23] =	ssyncadd.s32 s2;
	_ =	sdelay $0x1  }
0x19: {  	s24 =	simm.s32 $0x1B8B  }
0x1a: {  	_ =	swait.ge [sflag:s24], $0x1  }
0x1b: {  	[sflag:s24] =	ssyncset.done $0x0  }
0x1c: {  	s26 =	simm.s32 $0x1B8E;
	s25 =	sld [smem:$0x3FFE];
	[sflag:s24] =	ssyncadd.s32 $0xFFFFFFFF  }
0x1d: {  	s27 =	simm.s32 $execute0_lowered;
	[smem:$0x3FD2] =	sst s26  }
0x1e: {  	s4 =	sshll.u32 s27, $0x1;
	_ =	strace $0x80000046;
	[dreg:$0x1] =	wrdreg $0xFFFFFFFF  }
0x1f: {  	s28 =	simm.s32 $_size_execute0_lowered;
	s1 =	sadd.s32 s1, s4;
	[dreg:$0x0] =	wrdreg $0x0  }
0x20: {  	s4 =	sshll.u32 s28, $0x1;
	[dreg:$0x2] =	wrdreg s1  }
0x21: {  	[dreg:$0x3] =	wrdreg s4  }
0x22: {  	[dreg:$0x4] =	wrdreg $0xC0  }
0x23: {  	_ =	task [dreg:s6], $0x5FFFF  }
0x24: {  	[dreg:$0x1] =	wrdreg $0xFFFFFFFF  }
0x25: {  	[dreg:$0x0] =	wrdreg $0x60  }
0x26: {  	[dreg:$0x2] =	wrdreg s25  }
0x27: {  	[dreg:$0x3] =	wrdreg $0x9  }
0x28: {  	_ =	task.clear_ibuf [dreg:s6], $0x4FFFF;
	_ =	strace $0x90000046  }
0x29: {  	s29 =	simm.s32 $0x9;
	_ =	strace $0x80000048  }
0x2a: {  	_ =	swait.ge [sflag:s29], $0x1  }
0x2b: {  	[sflag:s29] =	ssyncadd.s32 $0xFFFFFFFF  }
0x2c: {  	_ =	strace $0x90000048  }
0x2d: {  	_ =	sfence  }
0x2e: {  	s30 =	sld [smem:$0x0];
	_ =	sdelay $0x2  }
0x2f: {  	s31 =	sshll.u32 s3, $0xD;
	s3 =	sshrl.u32 s3, $0x2  }
0x30: {  	s2 =	sand.u32 $0x4000, s31;
	s1 =	sadd.s32 s3, s30  }
0x31: {  	s0 =	sor.u32 s2, s0;
	s1 =	sshll.u32 s1, $0x11  }
0x32: {  	s0 =	sor.u32 s1, s0  }
0x33: {  	s0 =	sadd.s32 $0x8F2B, s0  }
0x34: {  	[sflag:s0] =	ssyncadd.remote.s32 $0x1  }
0x35: {  	_ =	sfence.sel $0xFFFF  }
0x36: {  	[dreg:$0x0] =	wrdreg $0xFFFFFFFF;
	(pc) =	sbr.abs _section_cstart, $3  }
0x37: {  	[dreg:$0x1] =	wrdreg $0xFFFFFFFF  }
0x38: {  	_ =	task.clear_ibuf [dreg:s6], $0x2FFFF;
	_ =	strace $0x9FFFFFFF  }
0x39: {  	(tm) =	ssettm $0x7FFFFFFF  }
tec
execute0_lowered:
.L_overlay_start_1:
0x0: {  	(tag) =	ssettag $0x1  }
0x1: {  	s0 =	srdreg.scid  }
0x2: {  	s5 =	rddreg [dreg:$0x0];
	s1 =	stileid.u32;
	s4 =	simm.s32 $0x1  }
0x3: {  	s6 =	simm.s32 $0x2;
	s15 =	simm.s32 $0x0;
	p0 =	por $0x0, $0x0  }
0x4: {  	s8 =	simm.s32 $0x80;
	s14 =	simm.s32 $0x0;
	s2 =	sshll.u32 s0, $0x4  }
0x5: {  	s9 =	simm.s32 $0x0;
	s10 =	simm.s32 $0x0;
	s2 =	sand.u32 $0x10, s2  }
.Ltmp0:
0x6: {  	s12 =	simm.s32 $0x0;
	s3 =	sor.u32 s1, s2;
	(pc) =	sbr.rel .LBB1_1-.Ltmp0, $4  }
0x7: {  	s0 =	rddreg [dreg:$0x1];
	_ =	strace $0x80000047;
	s3 =	sshll.u32 s3, $0x7  }
0x8: {  	s13 =	simm.s32 $0x0;
	[sflag:s4] =	ssyncpa.u1 $0x0;
	s7 =	ssub.s32 $0xF4200, s3  }
0x9: {  	s2 =	sadd.s32 $0x1000, s5;
	[sflag:s6] =	ssyncpa.u1 $0x0;
	s6 =	sshrl.u32 s7, $0xC  }
0xa: {  	s5 =	sadd.s32 $0x7A2400, s5;
	s11 =	smov.u32 s3;
	s7 =	sadd.s32 $0x2, s6  }
.LBB1_5:
0xb: {  	p1 =	slt.u32 s13, $0x2  }
0xc: {  	s17 =	smov.u32 s15;
	p2 =	sgt.s32 @!p1 s15, $0xF41C0;
	s16 =	sshra.s32 @!p1 s15, $0x1F  }
0xd: {  	p3 =	sgt.s32 @!p1 s14, $0x40;
	s18 =	sshra.s32 @!p1 s14, $0x1F;
	p2 =	por !p2, p1  }
0xe: {  	s15 =	sand.u32 @!p1 s16, s15;
	p3 =	por !p3, p1;
	s16 =	smov.u32 s14  }
0xf: {  	s14 =	sand.u32 @!p1 s18, s14;
	s17 =	simm.s32 @p2 $0xF41C0;
	s16 =	simm.s32 @p3 $0x40  }
0x10: {  	s15 =	ssub.s32 @!p1 s17, s15;
	s14 =	ssub.s32 @!p1 s16, s14  }
0x11: {  	s18 =	smov.u32 s12;
	s16 =	sadd.s32 @!p1 $0xFFF0BE40, s15;
	s17 =	sadd.s32 @!p1 $0xFFFFFFC0, s14  }
0x12: {  	s15 =	ssub.s32 @!p1 $0xF4240, s15;
	p2 =	sgt.s32 @!p1 s16, $0x7F;
	p3 =	sgt.s32 @!p1 s17, $0x3F  }
0x13: {  	s14 =	ssub.s32 @!p1 $0x80, s14;
	p2 =	por !p2, p1;
	p3 =	por !p3, p1  }
0x14: {  	s16 =	sadd.s32 $0x1000, s11;
	s15 =	simm.s32 @!p2 $0x0;
	s14 =	simm.s32 @!p3 $0x0  }
0x15: {  	p2 =	sgt.s32 s16, $0xF423F;
	s14 =	smul.u32 @!p1 s14, s15;
	s15 =	sadd.s32 $0x40, s12  }
0x16: {  	s18 =	smov.u32 @p2 s15  }
0x17: {  	s16 =	smov.u32 @p2 s3;
	p2 =	sgt.s32 s18, $0x3F  }
0x18: {  	s18 =	simm.s32 @p2 $0x0;
	p2 =	sne.s32 s13, s7  }
.Ltmp1:
0x19: {  	p0 =	por !p0, !p0;
	s17 =	simm.s32 @!p1 $0x2;
	(pc) =	sbr.rel @!p2 .LBB1_6-.Ltmp1, $4  }
0x1a: {  	s15 =	smov.u32 s9;
	s9 =	smov.u32 s11;
	s14 =	sand.u32 @!p1 $0x3FFFFFFF, s14  }
0x1b: {  	s11 =	smov.u32 s16;
	_ =	swait.ge @!p1 [sflag:s17], s14;
	s19 =	ssub.s32 @!p1 $0x0, s14  }
0x1c: {  	s14 =	smov.u32 s10;
	s13 =	sadd.s32 $0x1, s13;
	[sflag:s17] =	ssyncset.done @!p1 $0x0  }
0x1d: {  	s10 =	smov.u32 s12;
	s12 =	smov.u32 s18;
	[sflag:s17] =	ssyncadd.s32 @!p1 s19  }
.LBB1_1:
0x1e: {  	p1 =	sgt.u32 s13, s6  }
0x1f: {  	s16 =	sshrl.u32 @!p1 s12, $0x3  }
0x20: {  	s17 =	sshll.u32 @!p1 s11, $0x3;
	s16 =	smul.u32 @!p1 $0x7A1400, s16  }
0x21: {  	s18 =	sshll.u32 @!p1 s12, $0x7;
	s17 =	sand.u32 @!p1 $0xFFFFFC00, s17  }
0x22: {  	s16 =	sadd.s32 @!p1 s16, s17;
	s17 =	sand.u32 @!p1 $0x380, s18  }
0x23: {  	s18 =	sand.u32 @!p1 $0x7F, s11;
	s16 =	sor.u32 @!p1 s17, s16  }
0x24: {  	s17 =	sor.u32 @!p1 s18, s16  }
0x25: {  	s18 =	smulhi.u32 @!p1 $0x218D6287, s17;
	_ =	sdelay $0x1  }
0x26: {  	s16 =	smulhi.u32 @!p1 $0x218D6287, s16;
	s18 =	sshrl.u32 @!p1 s18, $0x11  }
0x27: {  	s18 =	smul.u32 @!p1 $0xF4280, s18  }
0x28: {  	s19 =	sxor.u32 @!p1 $0xFFFFFFFF, s13;
	s16 =	sshrl.u32 @!p1 s16, $0x11  }
0x29: {  	s19 =	sshll.u32 @!p1 s19, $0xD;
	s16 =	sand.u32 @!p1 $0x3F, s16;
	s17 =	ssub.s32 @!p1 s17, s18  }
0x2a: {  	s16 =	smul.u32 @!p1 $0x1E850, s16;
	s18 =	sshrl.u32 @!p1 s17, $0x3;
	s17 =	sand.u32 @!p1 $0x7, s17  }
0x2b: {  	s19 =	sand.u32 @!p1 $0x2000, s19;
	s18 =	sadd.s32 @!p1 s2, s18;
	s17 =	sshll.u32 @!p1 s17, $0x12  }
0x2c: {  	s16 =	sadd.s32 @!p1 s16, s18;
	s17 =	sor.u32 @!p1 $0x400, s17;
	s18 =	simm.s32 @!p1 $0x7A1400  }
0x2d: {  	[tilespmem:s19], [sflag:$0x1] =	stream.strided.gather @!p1 [hbm4b:s16+s17], $0x2000, s18, s17, $0x38;
	[tilespmem:$0x8100] =	vst v63  }
0x2e: {  	p1 =	seq.s32 s13, $0x0  }
0x2f: {  	p2 =	sge.u32 @!p1 s13, s7  }
0x30: {  	p1 =	por p1, p2  }
.Ltmp2:
0x31: {  	_ = 	snop;
	(pc) =	sbr.rel @p1 .LBB1_5-.Ltmp2, $1  }
0x32: {  	_ =	sdelay $0x3  }
0x33: {  	s16 =	simm.s32 $0x1  }
0x34: {  	_ =	swait.ge [sflag:s4], $0x2000;
	s16 =	simm.s32 @!p0 $0x0  }
0x35: {  	[sflag:s4] =	ssyncset.done $0x0;
	s17 =	sshll.u32 s16, $0xD  }
0x36: {  	[sflag:s4] =	ssyncadd.s32 $0xFFFFE000;
	s17 =	sor.u32 $0x40, s17  }
0x37: {  	s16 =	smul.u32 $0x8200, s16;
	v0 =	vld [tilespmem:s17+$0x30]  }
0x38: {  	v1 =	vld [tilespmem:s17+$0xFFFFFFD0]  }
0x39: {  	s16 =	sshrl.u32 s16, $0x2;
	v5 =	vld [tilespmem:s17+$0xFFFFFFE0]  }
0x3a: {  	v6 =	vld [tilespmem:s17+$0xFFFFFFF0];
	s19 =	sor.u32 $0x4000, s16  }
0x3b: {  	s31 =	sand.u32 $0x1, s13;
	v4 =	vld [tilespmem:s17+$0x0];
	s18 =	sadd.s32 $0x0, s19  }
0x3c: {  	v3 =	vld [tilespmem:s17+$0x10];
	s16 =	smul.u32 $0x8200, s31;
	[tilespmem:s18+$0x1C70 ss:$0x41] =	vst.msk $0xffff, v0  }
0x3d: {  	v2 =	vld [tilespmem:s17+$0x20];
	[tilespmem:s18+$0x410 ss:$0x41] =	vst.msk $0xffff, v1  }
0x3e: {  	s16 =	sshrl.u32 s16, $0x2;
	v1 =	vld [tilespmem:s17+$0xFFFFFFC0];
	[tilespmem:s18+$0x820 ss:$0x41] =	vst.msk $0xffff, v5;
	s17 =	sadd.s32 $0x80, s17  }
0x3f: {  	s20 =	simm.s32 $0x4;
	s21 =	simm.s32 $0x8;
	s16 =	sor.u32 $0x4000, s16;
	[tilespmem:s18+$0xC30 ss:$0x41] =	vst.msk $0xffff, v6;
	v0 =	vld [tilespmem:s17+$0x30]  }
.LBB1_3:
0x40: {  	p1 =	sne.s32 s21, $0xFC;
	v5 =	vld [tilespmem:s17+$0xFFFFFFD0];
	[tilespmem:s18+$0x1040 ss:$0x41] =	vst.msk $0xffff, v4  }
0x41: {  	v6 =	vld [tilespmem:s17+$0xFFFFFFE0];
	[tilespmem:s18+$0x1450 ss:$0x41] =	vst.msk $0xffff, v3  }
0x42: {  	s22 =	sshra.s32 s20, $0x2;
	s20 =	smov.u32 s21;
	v7 =	vld [tilespmem:s17+$0xFFFFFFF0];
	[tilespmem:s18+$0x1860 ss:$0x41] =	vst.msk $0xffff, v2  }
.Ltmp3:
0x43: {  	v4 =	vld [tilespmem:s17+$0x0];
	[tilespmem:s18+$0x0 ss:$0x41] =	vst.msk $0xffff, v1;
	s18 =	sadd.s32 s22, s19;
	(pc) =	sbr.rel @p1 .LBB1_3-.Ltmp3, $4  }
0x44: {  	v3 =	vld [tilespmem:s17+$0x10];
	[tilespmem:s18+$0x1C70 ss:$0x41] =	vst.msk $0xffff, v0  }
0x45: {  	[tilespmem:s18+$0x410 ss:$0x41] =	vst.msk $0xffff, v5;
	v2 =	vld [tilespmem:s17+$0x20]  }
0x46: {  	v1 =	vld [tilespmem:s17+$0xFFFFFFC0];
	[tilespmem:s18+$0x820 ss:$0x41] =	vst.msk $0xffff, v6;
	s17 =	sadd.s32 $0x80, s17  }
0x47: {  	s21 =	sadd.s32 $0x4, s21;
	v0 =	vld [tilespmem:s17+$0x30];
	[tilespmem:s18+$0xC30 ss:$0x41] =	vst.msk $0xffff, v7  }
0x48: {  	s21 =	sshll.u32 s9, $0x7;
	s22 =	sshll.u32 s10, $0x3;
	s20 =	sshra.s32 s20, $0x2  }
0x49: {  	p1 =	sgt.s32 s9, $0xF41C0;
	s30 =	sshra.s32 s9, $0x1F;
	s25 =	sshra.s32 s10, $0x1F  }
0x4a: {  	v5 =	vld [tilespmem:s17+$0xFFFFFFD0];
	s28 =	sshrl.u32 s10, $0x3;
	s23 =	sand.u32 $0xFFFFFC00, s21;
	s22 =	sand.u32 $0xFFFFFC00, s22  }
0x4b: {  	[tilespmem:s18+$0x1040 ss:$0x41] =	vst.msk $0xffff, v4;
	v58 =	vld [tilespmem:s17+$0xFFFFFFE0];
	s21 =	sand.u32 $0x380, s21;
	s19 =	sadd.s32 s20, s19;
	s22 =	sadd.s32 s22, s23  }
0x4c: {  	v59 =	vld [tilespmem:s17+$0xFFFFFFF0];
	[tilespmem:s18+$0x1450 ss:$0x41] =	vst.msk $0xffff, v3;
	s29 =	sor.u32 s21, s22;
	s21 =	smov.u32 s9;
	s22 =	sand.u32 s30, s9  }
0x4d: {  	v60 =	vld [tilespmem:s17+$0x0];
	[tilespmem:s18+$0x1860 ss:$0x41] =	vst.msk $0xffff, v2;
	s30 =	sand.u32 $0x7, s10;
	s20 =	sshrl.u32 s29, $0x7;
	s21 =	simm.s32 @!p1 $0xF41C0  }
0x4e: {  	v61 =	vld [tilespmem:s17+$0x10];
	[tilespmem:s18+$0x0 ss:$0x41] =	vst.msk $0xffff, v1;
	p1 =	sgt.s32 s10, $0x40;
	s24 =	ssub.s32 s21, s22;
	s21 =	smov.u32 s10  }
0x4f: {  	v62 =	vld [tilespmem:s17+$0x20];
	[tilespmem:s19+$0x1C70 ss:$0x41] =	vst.msk $0xffff, v0;
	s31 =	smulhi.u32 $0x218DEF5, s20;
	s22 =	sand.u32 s25, s10;
	s21 =	simm.s32 @!p1 $0x40  }
0x50: {  	v63 =	vld [tilespmem:s17+$0xFFFFFFC0];
	[tilespmem:s19+$0x410 ss:$0x41] =	vst.msk $0xffff, v5;
	s26 =	sadd.s32 $0xFFF0BE40, s24;
	s17 =	ssub.s32 $0xF4240, s24;
	s21 =	ssub.s32 s21, s22  }
0x51: {  	[tilespmem:s19+$0x820 ss:$0x41] =	vst.msk $0xffff, v58;
	s23 =	sshrl.u32 s31, $0xD;
	p1 =	sgt.s32 s26, $0x7F;
	s27 =	sadd.s32 $0xFFFFFFC0, s21  }
0x52: {  	[tilespmem:s19+$0xC30 ss:$0x41] =	vst.msk $0xffff, v59;
	s23 =	smul.u32 $0xF4240, s23;
	s18 =	ssub.s32 $0x80, s21;
	p2 =	sgt.s32 s27, $0x3F  }
.Ltmp4:
0x53: {  	[tilespmem:s19+$0x1040 ss:$0x41] =	vst.msk $0xffff, v60;
	s17 =	simm.s32 @p1 $0x0;
	s18 =	simm.s32 @p2 $0x0;
	(pc) =	sbr.rel .LBB1_5-.Ltmp4, $4  }
0x54: {  	s29 =	sand.u32 $0xF, s28;
	[tilespmem:s19+$0x1450 ss:$0x41] =	vst.msk $0xffff, v61;
	s20 =	ssub.s32 s20, s23;
	s17 =	smul.u32 s18, s17  }
0x55: {  	[tilespmem:s19+$0x1860 ss:$0x41] =	vst.msk $0xffff, v62;
	s21 =	sshll.u32 s30, $0x12;
	s20 =	sshll.u32 s20, $0x4;
	s18 =	sadd.s32 s5, s29  }
0x56: {  	[tilespmem:s19+$0x0 ss:$0x41] =	vst.msk $0xffff, v63;
	s31 =	sor.u32 $0x40, s21;
	s18 =	sadd.s32 s20, s18;
	s17 =	sand.u32 $0x3FFFFFFF, s17  }
0x57: {  	[hbm4b:s18+s31] =	stream.strided.scatter [tilespmem:s16], [sflag:$0x2], s17, s8, s31, $0x18;
	[tilespmem:$0x8100] =	vst v63  }
.LBB1_6:
0x58: {  	_ =	sfence.sel $0x180000  }
0x59: {  	s2 =	simm.s32 $0x1;
	[bflag:$0x0] =	sbarrier.arrive $0xFFFF  }
0x5a: {  	s31 =	simm.s32 $0x2;
	[sflag:s2] =	ssyncpa.u1 $0x1  }
0x5b: {  	[sflag:s31] =	ssyncpa.u1 $0x1  }
0x5c: {  	p0 =	sne.s32 s1, $0x0;
	_ =	strace $0x90000047  }
0x5d: {  	s0 =	sadd.s32 @!p0 $0x100000, s0;
	[bflag:$0x2] =	sbarrier.arrive $0xFFFF  }
0x5e: {  	[sflag:s0] =	ssyncadd.tile.s32 @!p0 $0x1;
	_ =	shalt  }
.Lfunc_end1:
_tile_overlayer_lowered:
.L_overlay_start_2:
0x5f: {  	(tag) =	ssettag $0x2  }
0x60: {  	s0 =	rddreg [dreg:$0x0];
	s2 =	stileid.u32  }
0x61: {  	s1 =	rddreg [dreg:$0x1];
	p0 =	sne.s32 s2, $0x0  }
0x62: {  	s3 =	rddreg [dreg:$0x2];
	[bflag:$0x3] =	sbarrier.arrive $0xFFFF;
	s2 =	simm.s32 @!p0 $0x1C01  }
0x63: {  	[timem:s3], [sflag:s2] =	dma.local @!p0 [hbm:s0], s1  }
0x64: {  	s0 =	simm.s32 @!p0 $0x1  }
0x65: {  	_ =	swait.ge @!p0 [sflag:s0], s1  }
0x66: {  	s1 =	ssub.s32 @!p0 $0x0, s1;
	[sflag:s0] =	ssyncset.done @!p0 $0x0  }
0x67: {  	[sflag:s0] =	ssyncadd.s32 @!p0 s1  }
0x68: {  	[bflag:$0x3] =	sbarrier.arrive $0xFFFF  }
0x69: {  	_ =	shalt  }

// kernel: sparse-core-data-format-call.cloned.1.call-start
scs
called_computation_lowered:
.L_overlay_start_0:
0x0: {  	s2 =	sld [smem:$0x3FD9]  }
0x1: {  	s3 =	sld [smem:$0x3FFE];
	_ =	sdelay $0x1  }
0x2: {  	s1 =	srdreg.scid  }
0x3: {  	s0 =	sand.u32 $0x1, s1  }
0x4: {  	s18 =	sshll.u32 s0, $0xA;
	s2 =	sadd.s32 s3, s2  }
0x5: {  	s2 =	sadd.s32 s2, s18  }
0x6: {  	[smem:$0x3FC4] =	sst s2  }
0x7: {  	_ = 	snop  }
0x8: {  	s2 =	sld [smem:$0x3FD0];
	(tm) =	ssettm $0x1  }
0x9: {  	s19 =	sld [smem:$0x3FFB];
	_ =	sdelay $0x3  }
0xa: {  	_ =	strace s19  }
0xb: {  	s3 =	sld [smem:$0x3FFC];
	_ =	sdelay $0x3  }
0xc: {  	_ =	strace s3  }
0xd: {  	s3 =	sld [smem:$0x3FFD];
	_ =	sdelay $0x3  }
0xe: {  	_ =	strace s3  }
0xf: {  	_ =	strace $0x8FFFFFFF  }
0x10: {  	s20 =	sld [smem:$0x3FDB];
	_ =	sdelay $0x1  }
0x11: {  	s4 =	simm.s32 $_scs_section_size  }
0x12: {  	s5 =	simm.s32 $_size__tile_overlayer_lowered;
	s6 =	simm.s32 $_tile_overlayer_lowered  }
0x13: {  	s23 =	simm.s32 $0x1BFF;
	s22 =	sshll.u32 s6, $0x1;
	s3 =	sadd.s32 s4, s20  }
0x14: {  	s7 =	simm.s32 $0x0;
	s21 =	sshll.u32 s5, $0x1;
	s5 =	sadd.s32 s22, s3  }
0x15: {  	[timem:s7], [sflag:s23] =	dma.local [hbm:s5], s21  }
0x16: {  	_ =	swait.ge [sflag:s23], s21  }
0x17: {  	s4 =	ssub.s32 $0x0, s21;
	[sflag:s23] =	ssyncset.done $0x0  }
0x18: {  	[sflag:s23] =	ssyncadd.s32 s4;
	_ =	sdelay $0x1  }
0x19: {  	s24 =	simm.s32 $0x1B8B  }
0x1a: {  	_ =	swait.ge [sflag:s24], $0x1  }
0x1b: {  	[sflag:s24] =	ssyncset.done $0x0  }
0x1c: {  	s26 =	simm.s32 $0x1B8E;
	s25 =	sld [smem:$0x3FFE];
	[sflag:s24] =	ssyncadd.s32 $0xFFFFFFFF  }
0x1d: {  	s27 =	simm.s32 $execute0_lowered;
	[smem:$0x3FD2] =	sst s26  }
0x1e: {  	s5 =	sshll.u32 s27, $0x1;
	_ =	strace $0x8000004C;
	[dreg:$0x1] =	wrdreg $0xFFFFFFFF  }
0x1f: {  	s28 =	simm.s32 $_size_execute0_lowered;
	s3 =	sadd.s32 s3, s5;
	[dreg:$0x0] =	wrdreg $0x0  }
0x20: {  	s5 =	sshll.u32 s28, $0x1;
	[dreg:$0x2] =	wrdreg s3  }
0x21: {  	[dreg:$0x3] =	wrdreg s5  }
0x22: {  	[dreg:$0x4] =	wrdreg $0xC0  }
0x23: {  	_ =	task [dreg:s7], $0x5FFFF  }
0x24: {  	[dreg:$0x1] =	wrdreg $0xFFFFFFFF  }
0x25: {  	[dreg:$0x0] =	wrdreg $0x60  }
0x26: {  	[dreg:$0x2] =	wrdreg s25  }
0x27: {  	[dreg:$0x3] =	wrdreg s2  }
0x28: {  	[dreg:$0x4] =	wrdreg $0x9  }
0x29: {  	_ =	task.clear_ibuf [dreg:s7], $0x5FFFF;
	_ =	strace $0x9000004C  }
0x2a: {  	s29 =	simm.s32 $0x9;
	_ =	strace $0x8000004E  }
0x2b: {  	_ =	swait.ge [sflag:s29], $0x1  }
0x2c: {  	[sflag:s29] =	ssyncadd.s32 $0xFFFFFFFF  }
0x2d: {  	_ =	strace $0x9000004E  }
0x2e: {  	_ =	sfence  }
0x2f: {  	s30 =	sld [smem:$0x0];
	_ =	sdelay $0x2  }
0x30: {  	s31 =	sshll.u32 s1, $0xD;
	s1 =	sshrl.u32 s1, $0x2  }
0x31: {  	s3 =	sand.u32 $0x4000, s31;
	s1 =	sadd.s32 s1, s30  }
0x32: {  	s0 =	sor.u32 s3, s0;
	s1 =	sshll.u32 s1, $0x11  }
0x33: {  	s0 =	sor.u32 s1, s0  }
0x34: {  	s0 =	sadd.s32 $0x8F2B, s0  }
0x35: {  	[sflag:s0] =	ssyncadd.remote.s32 $0x1  }
0x36: {  	_ =	sfence.sel $0xFFFF  }
0x37: {  	[dreg:$0x0] =	wrdreg $0xFFFFFFFF;
	(pc) =	sbr.abs _section_cstart, $3  }
0x38: {  	[dreg:$0x1] =	wrdreg $0xFFFFFFFF  }
0x39: {  	_ =	task.clear_ibuf [dreg:s7], $0x2FFFF;
	_ =	strace $0x9FFFFFFF  }
0x3a: {  	(tm) =	ssettm $0x7FFFFFFF  }
0x3b: {  	_ =	shalt  }
tec
execute0_lowered:
.L_overlay_start_1:
0x0: {  	(tag) =	ssettag $0x1  }
0x1: {  	s0 =	srdreg.scid  }
0x2: {  	s1 =	sshll.u32 s0, $0x4  }
0x3: {  	s4 =	rddreg [dreg:$0x0];
	s0 =	stileid.u32;
	s1 =	sand.u32 $0x10, s1  }
0x4: {  	s2 =	rddreg [dreg:$0x1];
	s7 =	simm.s32 $0x1;
	s1 =	sor.u32 s0, s1  }
0x5: {  	s8 =	simm.s32 $0x2;
	s11 =	simm.s32 $0x0;
	s3 =	sshll.u32 s1, $0x1  }
0x6: {  	s10 =	simm.s32 $0x0;
	s4 =	sadd.s32 $0x1000, s4;
	s6 =	ssub.s32 $0x1000, s3  }
.Ltmp0:
0x7: {  	s1 =	rddreg [dreg:$0x2];
	s5 =	sand.u32 $0x3E, s6;
	(pc) =	sbr.rel .LBB1_1-.Ltmp0, $4  }
0x8: {  	_ =	strace $0x8000004D;
	s9 =	smov.u32 s3;
	p0 =	sne.s32 s5, $0x0  }
0x9: {  	s6 =	sshrl.u32 s6, $0x6;
	s5 =	simm.s32 $0x1;
	s7 =	simm.s32 @!p0 $0x0  }
0xa: {  	[sflag:s5] =	ssyncpa.u1 $0x0;
	p0 =	por $0x0, $0x0;
	s6 =	sadd.s32 s7, s6  }
0xb: {  	[sflag:s8] =	ssyncpa.u1 $0x0;
	s8 =	simm.s32 $0x0;
	s7 =	sadd.s32 $0x1, s6  }
.LBB1_7:
0xc: {  	s13 =	sadd.s32 $0x40, s9  }
0xd: {  	p2 =	sgt.s32 s13, $0xFFF  }
0xe: {  	s13 =	smov.u32 @p2 s3;
	p2 =	sne.s32 s10, s7  }
.Ltmp1:
0xf: {  	p1 =	slt.u32 s10, $0x2;
	(pc) =	sbr.rel @!p2 .LBB1_8-.Ltmp1, $4  }
0x10: {  	s12 =	simm.s32 @!p1 $0x2  }
0x11: {  	s14 =	sadd.s32 $0x1, s10;
	_ =	swait.ge @!p1 [sflag:s12], $0x4000  }
0x12: {  	s11 =	smov.u32 s9;
	p0 =	por !p0, !p0;
	[sflag:s12] =	ssyncset.done @!p1 $0x0  }
0x13: {  	s10 =	smov.u32 s14;
	s9 =	smov.u32 s13;
	[sflag:s12] =	ssyncadd.s32 @!p1 $0xFFFFC000  }
.LBB1_1:
0x14: {  	p1 =	sge.u32 s10, s6  }
0x15: {  	s31 =	sadd.s32 $0xFFFFFFFF, s10;
	s12 =	sxor.u32 @!p1 $0xFFFFFFFF, s10  }
0x16: {  	s13 =	sshll.u32 @!p1 s9, $0xB;
	s14 =	simm.s32 @!p1 $0x40;
	s12 =	sshll.u32 @!p1 s12, $0xE  }
0x17: {  	s15 =	simm.s32 @!p1 $0x80;
	s13 =	sadd.s32 @!p1 s4, s13;
	s12 =	sand.u32 @!p1 $0x4000, s12  }
0x18: {  	[tilespmem:s12], [sflag:$0x1] =	stream.strided.gather @!p1 [hbm4b:s13+s14], $0x4000, s15, s14, $0x38;
	[tilespmem:$0x10100] =	vst v63  }
0x19: {  	p1 =	sge.u32 s31, s6  }
.Ltmp2:
0x1a: {  	_ = 	snop;
	(pc) =	sbr.rel @p1 .LBB1_7-.Ltmp2, $1  }
0x1b: {  	_ =	sdelay $0x3  }
0x1c: {  	s12 =	simm.s32 $0x1;
	s14 =	sand.u32 $0x1, s10  }
0x1d: {  	_ =	swait.ge [sflag:s5], $0x4000;
	s12 =	simm.s32 @!p0 $0x0;
	s14 =	smul.u32 $0x10200, s14  }
0x1e: {  	p2 =	por $0x1, $0x1;
	[sflag:s5] =	ssyncset.done $0x0;
	s13 =	smul.u32 $0x10200, s12  }
0x1f: {  	s15 =	sshll.u32 s12, $0x10;
	[sflag:s5] =	ssyncadd.s32 $0xFFFFC000;
	s30 =	sshrl.u32 s14, $0x2  }
0x20: {  	s31 =	sshrl.u32 s15, $0x2;
	s15 =	simm.s32 $0x0;
	s13 =	sshrl.u32 s13, $0x2  }
0x21: {  	s12 =	sor.u32 $0x8000, s30;
	s14 =	sadd.s32 $0x20, s31;
	s13 =	sor.u32 $0x8000, s13  }
.LBB1_3:
0x22: {  	s16 =	sshll.u32 s15, $0xD  }
0x23: {  	s16 =	sand.u32 $0x3FFFE000, s16  }
0x24: {  	s18 =	sadd.s32 s16, s14  }
0x25: {  	s31 =	smul.u32 $0x8100, s15;
	v3 =	vld [tilespmem:s18+$0x10]  }
0x26: {  	v1 =	vld [tilespmem:s18+$0xFFFFFFF0]  }
0x27: {  	s15 =	sshra.s32 s31, $0x2;
	v0 =	vld [tilespmem:s18+$0x0]  }
0x28: {  	s15 =	sadd.s32 s15, s13;
	v2 =	vld [tilespmem:s18+$0xFFFFFFE0]  }
0x29: {  	s16 =	sadd.s32 $0x0, s15  }
0x2a: {  	p1 =	por p2, p2;
	s17 =	simm.s32 $0x4;
	s18 =	sadd.s32 $0x40, s18;
	[tilespmem:s16+$0x1830 ss:$0x81] =	vst.msk $0xffff, v3  }
.LBB1_4:
0x2b: {  	v3 =	vld [tilespmem:s18+$0x10];
	p2 =	sne.s32 s17, $0x1FC;
	[tilespmem:s16+$0x810 ss:$0x81] =	vst.msk $0xffff, v1;
	s19 =	smov.u32 s17;
	s17 =	sadd.s32 $0x4, s17  }
.Ltmp3:
0x2c: {  	v1 =	vld [tilespmem:s18+$0xFFFFFFF0];
	[tilespmem:s16+$0x1020 ss:$0x81] =	vst.msk $0xffff, v0;
	(pc) =	sbr.rel @p2 .LBB1_4-.Ltmp3, $4  }
0x2d: {  	v0 =	vld [tilespmem:s18+$0x0];
	[tilespmem:s16+$0x0 ss:$0x81] =	vst.msk $0xffff, v2  }
0x2e: {  	s16 =	sshra.s32 s19, $0x2;
	v2 =	vld [tilespmem:s18+$0xFFFFFFE0]  }
0x2f: {  	s16 =	sadd.s32 s16, s15  }
0x30: {  	s18 =	sadd.s32 $0x40, s18;
	[tilespmem:s16+$0x1830 ss:$0x81] =	vst.msk $0xffff, v3  }
.Ltmp4:
0x31: {  	(pc) =	sbr.rel @p1 .LBB1_3-.Ltmp4, $4  }
0x32: {  	_ = 	snop  }
0x33: {  	[tilespmem:s16+$0x810 ss:$0x81] =	vst.msk $0xffff, v1  }
0x34: {  	[tilespmem:s16+$0x1020 ss:$0x81] =	vst.msk $0xffff, v0  }
0x35: {  	s15 =	simm.s32 $0x1;
	p2 =	por $0x0, $0x0;
	[tilespmem:s16+$0x0 ss:$0x81] =	vst.msk $0xffff, v2  }
.Ltmp5:
0x36: {  	(pc) =	sbr.rel .LBB1_7-.Ltmp5, $4  }
0x37: {  	_ = 	snop  }
0x38: {  	s11 =	sshll.u32 s11, $0xA  }
0x39: {  	s11 =	sadd.s32 s2, s11  }
0x3a: {  	[hbm4b:s11+s8] =	stream.linear.scatter [tilespmem:s12], [sflag:$0x2], $0x4000, $0x20;
	[tilespmem:$0x10100] =	vst v63  }
.LBB1_8:
0x3b: {  	_ =	sfence.sel $0x180000  }
0x3c: {  	s2 =	simm.s32 $0x1;
	[bflag:$0x0] =	sbarrier.arrive $0xFFFF  }
0x3d: {  	s31 =	simm.s32 $0x2;
	[sflag:s2] =	ssyncpa.u1 $0x1  }
0x3e: {  	[sflag:s31] =	ssyncpa.u1 $0x1  }
0x3f: {  	p0 =	sne.s32 s0, $0x0;
	_ =	strace $0x9000004D  }
0x40: {  	s0 =	sadd.s32 @!p0 $0x100000, s1;
	[bflag:$0x2] =	sbarrier.arrive $0xFFFF  }
0x41: {  	[sflag:s0] =	ssyncadd.tile.s32 @!p0 $0x1;
	_ =	shalt  }
.Lfunc_end1:
_tile_overlayer_lowered:
.L_overlay_start_2:
0x42: {  	(tag) =	ssettag $0x2  }
0x43: {  	s0 =	rddreg [dreg:$0x0];
	s2 =	stileid.u32  }
0x44: {  	s1 =	rddreg [dreg:$0x1];
	p0 =	sne.s32 s2, $0x0  }
0x45: {  	s3 =	rddreg [dreg:$0x2];
	[bflag:$0x3] =	sbarrier.arrive $0xFFFF;
	s2 =	simm.s32 @!p0 $0x1C01  }
0x46: {  	[timem:s3], [sflag:s2] =	dma.local @!p0 [hbm:s0], s1  }
0x47: {  	s0 =	simm.s32 @!p0 $0x1  }
0x48: {  	_ =	swait.ge @!p0 [sflag:s0], s1  }
0x49: {  	s1 =	ssub.s32 @!p0 $0x0, s1;
	[sflag:s0] =	ssyncset.done @!p0 $0x0  }
0x4a: {  	[sflag:s0] =	ssyncadd.s32 @!p0 s1  }
0x4b: {  	[bflag:$0x3] =	sbarrier.arrive $0xFFFF  }
0x4c: {  	_ =	shalt  }

</sc_bundles>
